<compile_context>
chip_gen: v7x
topology: tpu7x:2x2x1
jax: 0.10.2.dev20260603
libtpu: 0.0.44.dev20260713+nightly
codegen_flags: <defaults>
</compile_context>

<pallas_src>
import jax
import jax.numpy as jnp
from jax import lax
from jax.experimental import pallas as pl
from jax.experimental.pallas import tpu as pltpu
from jax.experimental.pallas import tpu_sc as plsc

NUM_KNOTS = 64
LANES = 16
NUM_CORES = 2
NUM_SUBCORES = 16
NW = NUM_CORES * NUM_SUBCORES
TBL = NUM_KNOTS * LANES

ROWS, COLS = 16384, 200
ROWS_PER_W = ROWS // NW
BLK_R = 64
NBLK = ROWS_PER_W // BLK_R
COL_OFFS = tuple(range(0, COLS - LANES + 1, LANES)) + (COLS - LANES,)


def _spline_body(tbl_hbm, x_hbm, out_hbm,
                 a_v, b_v, c_v, d_v, xbuf, obuf, in_sems, out_sems):
    wid = lax.axis_index("s") * NUM_CORES + lax.axis_index("c")
    row0 = wid * ROWS_PER_W

    def in_copy(k, b):
        return pltpu.async_copy(
            x_hbm.at[pl.ds(row0 + k * BLK_R, BLK_R)], xbuf.at[b],
            in_sems.at[b])

    def out_copy(k, b):
        return pltpu.async_copy(
            obuf.at[b], out_hbm.at[pl.ds(row0 + k * BLK_R, BLK_R)],
            out_sems.at[b])

    def wait_in(b):
        pltpu.make_async_copy(
            x_hbm.at[pl.ds(row0, BLK_R)], xbuf.at[b], in_sems.at[b]).wait()

    def wait_out(b):
        pltpu.make_async_copy(
            obuf.at[b], out_hbm.at[pl.ds(row0, BLK_R)],
            out_sems.at[b]).wait()

    in_copy(0, 0)
    in_copy(1, 1)

    pltpu.sync_copy(tbl_hbm.at[0], a_v)
    pltpu.sync_copy(tbl_hbm.at[1], b_v)
    pltpu.sync_copy(tbl_hbm.at[2], c_v)
    pltpu.sync_copy(tbl_hbm.at[3], d_v)

    scale = jnp.float32(NUM_KNOTS - 1)
    lane = jnp.arange(LANES, dtype=jnp.int32)

    def block(k, _):
        b = lax.rem(k, 2)
        wait_in(b)

        @pl.when(k >= 2)
        def _wait_out():
            wait_out(b)

        @plsc.parallel_loop(0, BLK_R, 1, unroll=1)
        def row(r):
            for c in COL_OFFS:
                xv = xbuf[b, r, pl.ds(c, LANES)]
                tf = xv * scale
                i = tf.astype(jnp.int32)
                i = jnp.minimum(jnp.maximum(i, 0), NUM_KNOTS - 2)
                t = tf - i.astype(jnp.float32)
                j = i * LANES + lane
                av = plsc.load_gather(a_v, [j])
                bv = plsc.load_gather(b_v, [j])
                cv = plsc.load_gather(c_v, [j])
                dv = plsc.load_gather(d_v, [j])
                obuf[b, r, pl.ds(c, LANES)] = \
                    ((dv * t + cv) * t + bv) * t + av

        out_copy(k, b)

        @pl.when(k + 2 < NBLK)
        def _next_in():
            in_copy(k + 2, b)

        return _

    lax.fori_loop(0, NBLK, block, None)
    wait_out(0)
    wait_out(1)


@jax.jit
def kernel(x, values):
    v = values.astype(jnp.float32)
    pm1 = jnp.concatenate([v[:1], v[:-1]])
    pp1 = jnp.concatenate([v[1:], v[-1:]])
    pp2 = jnp.concatenate([v[2:], v[-1:], v[-1:]])
    at = v
    bt = 0.5 * (pp1 - pm1)
    ct = 0.5 * (2.0 * pm1 - 5.0 * v + 4.0 * pp1 - pp2)
    dt = 0.5 * (-pm1 + 3.0 * v - 3.0 * pp1 + pp2)
    tbl = jnp.stack([jnp.repeat(z, LANES) for z in (at, bt, ct, dt)])

    run = pl.kernel(
        _spline_body,
        out_type=jax.ShapeDtypeStruct((ROWS, COLS), jnp.float32),
        mesh=plsc.VectorSubcoreMesh(
            core_axis_name="c", subcore_axis_name="s",
            num_cores=NUM_CORES, num_subcores=NUM_SUBCORES),
        compiler_params=pltpu.CompilerParams(needs_layout_passes=False),
        scratch_types=[
            pltpu.VMEM((TBL,), jnp.float32),
            pltpu.VMEM((TBL,), jnp.float32),
            pltpu.VMEM((TBL,), jnp.float32),
            pltpu.VMEM((TBL,), jnp.float32),
            pltpu.VMEM((2, BLK_R, COLS), jnp.float32),
            pltpu.VMEM((2, BLK_R, COLS), jnp.float32),
            pltpu.SemaphoreType.DMA((2,)),
            pltpu.SemaphoreType.DMA((2,)),
        ],
    )
    return run(tbl, x)

# --- scband reference (transcript-rebuilt; emitter-appended) ---
"""Pipeline reference for scband-cubic-crspline1-d-23278722744695 (READ-ONLY COPY).

The authoritative reference and input builder live on the scoring server;
editing this copy changes nothing except your own understanding.
"""

import jax, jax.numpy as jnp
import numpy as np

NUM_KNOTS = 64
IN_MIN = 0.0
IN_MAX = 1.0

def setup_inputs(seed: int = 0) -> dict:
    key = jax.random.key(seed)
    k1, k2 = jax.random.split(key)
    x = jax.random.uniform(k1, (16384, 200), dtype=jnp.float32)
    # learned knot values (initialized to small random instead of zeros so output is nontrivial)
    values = jax.random.normal(k2, (NUM_KNOTS,), dtype=jnp.float32) * 0.1
    return {"x": x, "values": values}

def reference(x, values):
    K = NUM_KNOTS
    in_min = jnp.float32(IN_MIN)
    in_max = jnp.float32(IN_MAX)
    x = jnp.clip(x, in_min, in_max)
    span = jnp.maximum(in_max - in_min, 1e-08)
    t_float = (x - in_min) / span * (K - 1)
    i = jnp.clip(jnp.floor(jax.lax.stop_gradient(t_float)).astype(jnp.int32), 0, K - 2)
    t = t_float - i.astype(jnp.float32)
    i0 = jnp.clip(i - 1, 0, K - 1)
    i1 = i
    i2 = jnp.clip(i + 1, 0, K - 1)
    i3 = jnp.clip(i + 2, 0, K - 1)
    p0 = jnp.take(values, i0, axis=0)
    p1 = jnp.take(values, i1, axis=0)
    p2 = jnp.take(values, i2, axis=0)
    p3 = jnp.take(values, i3, axis=0)
    t2 = t * t
    t3 = t2 * t
    a = 0.5 * (2 * p1)
    b = 0.5 * (-p0 + p2)
    c = 0.5 * (2 * p0 - 5 * p1 + 4 * p2 - p3)
    d = 0.5 * (-p0 + 3 * p1 - 3 * p2 + p3)
    out = a + b * t + c * t2 + d * t3
    return out

if __name__ == "__main__":
    import jax
    _d = setup_inputs()
    print(jax.jit(kernel)(*tuple(_d.values())))

</pallas_src>

<mosaic_0001>
#map = affine_map<(d0, d1) -> (0, 0)>
module attributes {stable_mosaic.version = 14 : i64} {
  func.func @_spline_body(%arg0: i32, %arg1: i32, %arg2: memref<4x1024xf32, #tpu.memory_space<hbm>>, %arg3: memref<16384x200xf32, #tpu.memory_space<hbm>>, %arg4: memref<16384x200xf32, #tpu.memory_space<hbm>>, %arg5: memref<1024xf32, #tpu.memory_space<vmem>>, %arg6: memref<1024xf32, #tpu.memory_space<vmem>>, %arg7: memref<1024xf32, #tpu.memory_space<vmem>>, %arg8: memref<1024xf32, #tpu.memory_space<vmem>>, %arg9: memref<2x64x200xf32, #tpu.memory_space<vmem>>, %arg10: memref<2x64x200xf32, #tpu.memory_space<vmem>>, %arg11: memref<2x!tpu.dma_semaphore, #tpu.memory_space<semaphore_mem>>, %arg12: memref<2x!tpu.dma_semaphore, #tpu.memory_space<semaphore_mem>>) attributes {dimension_semantics = [#tpu.dimension_semantics<core_parallel>, #tpu.dimension_semantics<subcore_parallel>], iteration_bounds = array<i64: 2, 16>, scalar_prefetch = 0 : i64, scratch_operands = 8 : i64, tpu.core_type = #tpu.core_type<sc_vector_subcore>, window_params = [{transform_indices = #map}, {transform_indices = #map}, {transform_indices = #map}]} {
    %mul3A = arith.constant 2 : i32
    %mul3A_0 = arith.muli %arg1, %mul3A : i32
    %add3A = arith.addi %mul3A_0, %arg0 : i32
    %mul3A_1 = arith.constant 512 : i32
    %mul3A_2 = arith.muli %add3A, %mul3A_1 : i32
    %add3A_3 = arith.constant 0 : i32
    %add3A_4 = arith.addi %mul3A_2, %add3A_3 : i32
    %dma_start3A = arith.constant 0 : i32
    %dma_start3A_5 = arith.constant 0 : i32
    %dma_start3A_6 = arith.constant 0 : i32
    %dma_start3A_7 = arith.constant 0 : i32
    %dma_start3A_8 = tpu.memref_slice %arg9[%dma_start3A, %dma_start3A_6, %dma_start3A_7] : memref<2x64x200xf32, #tpu.memory_space<vmem>> -> memref<1x64x200xf32, #tpu.memory_space<vmem>>
    %dma_start3A_9 = tpu.memref_squeeze %dma_start3A_8 : memref<1x64x200xf32, #tpu.memory_space<vmem>> -> memref<64x200xf32, #tpu.memory_space<vmem>>
    %dma_start3A_10 = arith.constant 0 : i32
    %dma_start3A_11 = tpu.memref_slice %arg3[%add3A_4, %dma_start3A_10] : memref<16384x200xf32, #tpu.memory_space<hbm>> -> memref<64x200xf32, #tpu.memory_space<hbm>>
    %dma_start3A_12 = tpu.memref_slice %arg11[%dma_start3A_5] : memref<2x!tpu.dma_semaphore, #tpu.memory_space<semaphore_mem>> -> memref<1x!tpu.dma_semaphore, #tpu.memory_space<semaphore_mem>>
    %dma_start3A_13 = tpu.memref_squeeze %dma_start3A_12 : memref<1x!tpu.dma_semaphore, #tpu.memory_space<semaphore_mem>> -> memref<!tpu.dma_semaphore, #tpu.memory_space<semaphore_mem>>
    %dma_start3A_14 = arith.constant 0 : i32
    %dma_start3A_15 = arith.constant 0 : i32
    %dma_start3A_16 = tpu.memref_slice %arg9[%dma_start3A, %dma_start3A_14, %dma_start3A_15] : memref<2x64x200xf32, #tpu.memory_space<vmem>> -> memref<1x64x200xf32, #tpu.memory_space<vmem>>
    %dma_start3A_17 = tpu.memref_squeeze %dma_start3A_16 : memref<1x64x200xf32, #tpu.memory_space<vmem>> -> memref<64x200xf32, #tpu.memory_space<vmem>>
    %dma_start3A_18 = arith.constant 0 : i32
    %dma_start3A_19 = tpu.memref_slice %arg3[%add3A_4, %dma_start3A_18] : memref<16384x200xf32, #tpu.memory_space<hbm>> -> memref<64x200xf32, #tpu.memory_space<hbm>>
    tpu.enqueue_dma source(%dma_start3A_19 : memref<64x200xf32, #tpu.memory_space<hbm>>) target(%dma_start3A_17 : memref<64x200xf32, #tpu.memory_space<vmem>>) target_semaphore(%dma_start3A_13 : memref<!tpu.dma_semaphore, #tpu.memory_space<semaphore_mem>>)
    %add3A_20 = arith.constant 64 : i32
    %add3A_21 = arith.addi %mul3A_2, %add3A_20 : i32
    %dma_start3A_22 = arith.constant 1 : i32
    %dma_start3A_23 = arith.constant 1 : i32
    %dma_start3A_24 = arith.constant 0 : i32
    %dma_start3A_25 = arith.constant 0 : i32
    %dma_start3A_26 = tpu.memref_slice %arg9[%dma_start3A_22, %dma_start3A_24, %dma_start3A_25] : memref<2x64x200xf32, #tpu.memory_space<vmem>> -> memref<1x64x200xf32, #tpu.memory_space<vmem>>
    %dma_start3A_27 = tpu.memref_squeeze %dma_start3A_26 : memref<1x64x200xf32, #tpu.memory_space<vmem>> -> memref<64x200xf32, #tpu.memory_space<vmem>>
    %dma_start3A_28 = arith.constant 0 : i32
    %dma_start3A_29 = tpu.memref_slice %arg3[%add3A_21, %dma_start3A_28] : memref<16384x200xf32, #tpu.memory_space<hbm>> -> memref<64x200xf32, #tpu.memory_space<hbm>>
    %dma_start3A_30 = tpu.memref_slice %arg11[%dma_start3A_23] : memref<2x!tpu.dma_semaphore, #tpu.memory_space<semaphore_mem>> -> memref<1x!tpu.dma_semaphore, #tpu.memory_space<semaphore_mem>>
    %dma_start3A_31 = tpu.memref_squeeze %dma_start3A_30 : memref<1x!tpu.dma_semaphore, #tpu.memory_space<semaphore_mem>> -> memref<!tpu.dma_semaphore, #tpu.memory_space<semaphore_mem>>
    %dma_start3A_32 = arith.constant 0 : i32
    %dma_start3A_33 = arith.constant 0 : i32
    %dma_start3A_34 = tpu.memref_slice %arg9[%dma_start3A_22, %dma_start3A_32, %dma_start3A_33] : memref<2x64x200xf32, #tpu.memory_space<vmem>> -> memref<1x64x200xf32, #tpu.memory_space<vmem>>
    %dma_start3A_35 = tpu.memref_squeeze %dma_start3A_34 : memref<1x64x200xf32, #tpu.memory_space<vmem>> -> memref<64x200xf32, #tpu.memory_space<vmem>>
    %dma_start3A_36 = arith.constant 0 : i32
    %dma_start3A_37 = tpu.memref_slice %arg3[%add3A_21, %dma_start3A_36] : memref<16384x200xf32, #tpu.memory_space<hbm>> -> memref<64x200xf32, #tpu.memory_space<hbm>>
    tpu.enqueue_dma source(%dma_start3A_37 : memref<64x200xf32, #tpu.memory_space<hbm>>) target(%dma_start3A_35 : memref<64x200xf32, #tpu.memory_space<vmem>>) target_semaphore(%dma_start3A_31 : memref<!tpu.dma_semaphore, #tpu.memory_space<semaphore_mem>>)
    %run_scoped3A = arith.constant 0 : i32
    "tpu.region"() ({
      %run_scoped3A_77 = tpu.sem_alloc : memref<!tpu.dma_semaphore, #tpu.memory_space<semaphore_mem>>
      %dma_start3A_78 = arith.constant 0 : i32
      %dma_start3A_79 = tpu.memref_slice %arg2[%run_scoped3A, %dma_start3A_78] : memref<4x1024xf32, #tpu.memory_space<hbm>> -> memref<1x1024xf32, #tpu.memory_space<hbm>>
      %dma_start3A_80 = tpu.memref_squeeze %dma_start3A_79 : memref<1x1024xf32, #tpu.memory_space<hbm>> -> memref<1024xf32, #tpu.memory_space<hbm>>
      %dma_start3A_81 = arith.constant 0 : i32
      %dma_start3A_82 = tpu.memref_slice %arg2[%run_scoped3A, %dma_start3A_81] : memref<4x1024xf32, #tpu.memory_space<hbm>> -> memref<1x1024xf32, #tpu.memory_space<hbm>>
      %dma_start3A_83 = tpu.memref_squeeze %dma_start3A_82 : memref<1x1024xf32, #tpu.memory_space<hbm>> -> memref<1024xf32, #tpu.memory_space<hbm>>
      tpu.enqueue_dma source(%dma_start3A_83 : memref<1024xf32, #tpu.memory_space<hbm>>) target(%arg5 : memref<1024xf32, #tpu.memory_space<vmem>>) target_semaphore(%run_scoped3A_77 : memref<!tpu.dma_semaphore, #tpu.memory_space<semaphore_mem>>)
      %dma_wait3A_84 = arith.constant 0 : i32
      %dma_wait3A_85 = tpu.memref_slice %arg2[%run_scoped3A, %dma_wait3A_84] : memref<4x1024xf32, #tpu.memory_space<hbm>> -> memref<1x1024xf32, #tpu.memory_space<hbm>>
      %dma_wait3A_86 = tpu.memref_squeeze %dma_wait3A_85 : memref<1x1024xf32, #tpu.memory_space<hbm>> -> memref<1024xf32, #tpu.memory_space<hbm>>
      %dma_wait3A_87 = arith.constant 0 : i32
      %dma_wait3A_88 = tpu.memref_slice %arg2[%run_scoped3A, %dma_wait3A_87] : memref<4x1024xf32, #tpu.memory_space<hbm>> -> memref<1x1024xf32, #tpu.memory_space<hbm>>
      %dma_wait3A_89 = tpu.memref_squeeze %dma_wait3A_88 : memref<1x1024xf32, #tpu.memory_space<hbm>> -> memref<1024xf32, #tpu.memory_space<hbm>>
      tpu.wait_dma2 semaphore(%run_scoped3A_77 : memref<!tpu.dma_semaphore, #tpu.memory_space<semaphore_mem>>) src(%dma_wait3A_89 : memref<1024xf32, #tpu.memory_space<hbm>>) dst(%arg5 : memref<1024xf32, #tpu.memory_space<vmem>>)
      tpu.yield
    }) : () -> ()
    %run_scoped3A_38 = arith.constant 1 : i32
    "tpu.region"() ({
      %run_scoped3A_77 = tpu.sem_alloc : memref<!tpu.dma_semaphore, #tpu.memory_space<semaphore_mem>>
      %dma_start3A_78 = arith.constant 0 : i32
      %dma_start3A_79 = tpu.memref_slice %arg2[%run_scoped3A_38, %dma_start3A_78] : memref<4x1024xf32, #tpu.memory_space<hbm>> -> memref<1x1024xf32, #tpu.memory_space<hbm>>
      %dma_start3A_80 = tpu.memref_squeeze %dma_start3A_79 : memref<1x1024xf32, #tpu.memory_space<hbm>> -> memref<1024xf32, #tpu.memory_space<hbm>>
      %dma_start3A_81 = arith.constant 0 : i32
      %dma_start3A_82 = tpu.memref_slice %arg2[%run_scoped3A_38, %dma_start3A_81] : memref<4x1024xf32, #tpu.memory_space<hbm>> -> memref<1x1024xf32, #tpu.memory_space<hbm>>
      %dma_start3A_83 = tpu.memref_squeeze %dma_start3A_82 : memref<1x1024xf32, #tpu.memory_space<hbm>> -> memref<1024xf32, #tpu.memory_space<hbm>>
      tpu.enqueue_dma source(%dma_start3A_83 : memref<1024xf32, #tpu.memory_space<hbm>>) target(%arg6 : memref<1024xf32, #tpu.memory_space<vmem>>) target_semaphore(%run_scoped3A_77 : memref<!tpu.dma_semaphore, #tpu.memory_space<semaphore_mem>>)
      %dma_wait3A_84 = arith.constant 0 : i32
      %dma_wait3A_85 = tpu.memref_slice %arg2[%run_scoped3A_38, %dma_wait3A_84] : memref<4x1024xf32, #tpu.memory_space<hbm>> -> memref<1x1024xf32, #tpu.memory_space<hbm>>
      %dma_wait3A_86 = tpu.memref_squeeze %dma_wait3A_85 : memref<1x1024xf32, #tpu.memory_space<hbm>> -> memref<1024xf32, #tpu.memory_space<hbm>>
      %dma_wait3A_87 = arith.constant 0 : i32
      %dma_wait3A_88 = tpu.memref_slice %arg2[%run_scoped3A_38, %dma_wait3A_87] : memref<4x1024xf32, #tpu.memory_space<hbm>> -> memref<1x1024xf32, #tpu.memory_space<hbm>>
      %dma_wait3A_89 = tpu.memref_squeeze %dma_wait3A_88 : memref<1x1024xf32, #tpu.memory_space<hbm>> -> memref<1024xf32, #tpu.memory_space<hbm>>
      tpu.wait_dma2 semaphore(%run_scoped3A_77 : memref<!tpu.dma_semaphore, #tpu.memory_space<semaphore_mem>>) src(%dma_wait3A_89 : memref<1024xf32, #tpu.memory_space<hbm>>) dst(%arg6 : memref<1024xf32, #tpu.memory_space<vmem>>)
      tpu.yield
    }) : () -> ()
    %run_scoped3A_39 = arith.constant 2 : i32
    "tpu.region"() ({
      %run_scoped3A_77 = tpu.sem_alloc : memref<!tpu.dma_semaphore, #tpu.memory_space<semaphore_mem>>
      %dma_start3A_78 = arith.constant 0 : i32
      %dma_start3A_79 = tpu.memref_slice %arg2[%run_scoped3A_39, %dma_start3A_78] : memref<4x1024xf32, #tpu.memory_space<hbm>> -> memref<1x1024xf32, #tpu.memory_space<hbm>>
      %dma_start3A_80 = tpu.memref_squeeze %dma_start3A_79 : memref<1x1024xf32, #tpu.memory_space<hbm>> -> memref<1024xf32, #tpu.memory_space<hbm>>
      %dma_start3A_81 = arith.constant 0 : i32
      %dma_start3A_82 = tpu.memref_slice %arg2[%run_scoped3A_39, %dma_start3A_81] : memref<4x1024xf32, #tpu.memory_space<hbm>> -> memref<1x1024xf32, #tpu.memory_space<hbm>>
      %dma_start3A_83 = tpu.memref_squeeze %dma_start3A_82 : memref<1x1024xf32, #tpu.memory_space<hbm>> -> memref<1024xf32, #tpu.memory_space<hbm>>
      tpu.enqueue_dma source(%dma_start3A_83 : memref<1024xf32, #tpu.memory_space<hbm>>) target(%arg7 : memref<1024xf32, #tpu.memory_space<vmem>>) target_semaphore(%run_scoped3A_77 : memref<!tpu.dma_semaphore, #tpu.memory_space<semaphore_mem>>)
      %dma_wait3A_84 = arith.constant 0 : i32
      %dma_wait3A_85 = tpu.memref_slice %arg2[%run_scoped3A_39, %dma_wait3A_84] : memref<4x1024xf32, #tpu.memory_space<hbm>> -> memref<1x1024xf32, #tpu.memory_space<hbm>>
      %dma_wait3A_86 = tpu.memref_squeeze %dma_wait3A_85 : memref<1x1024xf32, #tpu.memory_space<hbm>> -> memref<1024xf32, #tpu.memory_space<hbm>>
      %dma_wait3A_87 = arith.constant 0 : i32
      %dma_wait3A_88 = tpu.memref_slice %arg2[%run_scoped3A_39, %dma_wait3A_87] : memref<4x1024xf32, #tpu.memory_space<hbm>> -> memref<1x1024xf32, #tpu.memory_space<hbm>>
      %dma_wait3A_89 = tpu.memref_squeeze %dma_wait3A_88 : memref<1x1024xf32, #tpu.memory_space<hbm>> -> memref<1024xf32, #tpu.memory_space<hbm>>
      tpu.wait_dma2 semaphore(%run_scoped3A_77 : memref<!tpu.dma_semaphore, #tpu.memory_space<semaphore_mem>>) src(%dma_wait3A_89 : memref<1024xf32, #tpu.memory_space<hbm>>) dst(%arg7 : memref<1024xf32, #tpu.memory_space<vmem>>)
      tpu.yield
    }) : () -> ()
    %run_scoped3A_40 = arith.constant 3 : i32
    "tpu.region"() ({
      %run_scoped3A_77 = tpu.sem_alloc : memref<!tpu.dma_semaphore, #tpu.memory_space<semaphore_mem>>
      %dma_start3A_78 = arith.constant 0 : i32
      %dma_start3A_79 = tpu.memref_slice %arg2[%run_scoped3A_40, %dma_start3A_78] : memref<4x1024xf32, #tpu.memory_space<hbm>> -> memref<1x1024xf32, #tpu.memory_space<hbm>>
      %dma_start3A_80 = tpu.memref_squeeze %dma_start3A_79 : memref<1x1024xf32, #tpu.memory_space<hbm>> -> memref<1024xf32, #tpu.memory_space<hbm>>
      %dma_start3A_81 = arith.constant 0 : i32
      %dma_start3A_82 = tpu.memref_slice %arg2[%run_scoped3A_40, %dma_start3A_81] : memref<4x1024xf32, #tpu.memory_space<hbm>> -> memref<1x1024xf32, #tpu.memory_space<hbm>>
      %dma_start3A_83 = tpu.memref_squeeze %dma_start3A_82 : memref<1x1024xf32, #tpu.memory_space<hbm>> -> memref<1024xf32, #tpu.memory_space<hbm>>
      tpu.enqueue_dma source(%dma_start3A_83 : memref<1024xf32, #tpu.memory_space<hbm>>) target(%arg8 : memref<1024xf32, #tpu.memory_space<vmem>>) target_semaphore(%run_scoped3A_77 : memref<!tpu.dma_semaphore, #tpu.memory_space<semaphore_mem>>)
      %dma_wait3A_84 = arith.constant 0 : i32
      %dma_wait3A_85 = tpu.memref_slice %arg2[%run_scoped3A_40, %dma_wait3A_84] : memref<4x1024xf32, #tpu.memory_space<hbm>> -> memref<1x1024xf32, #tpu.memory_space<hbm>>
      %dma_wait3A_86 = tpu.memref_squeeze %dma_wait3A_85 : memref<1x1024xf32, #tpu.memory_space<hbm>> -> memref<1024xf32, #tpu.memory_space<hbm>>
      %dma_wait3A_87 = arith.constant 0 : i32
      %dma_wait3A_88 = tpu.memref_slice %arg2[%run_scoped3A_40, %dma_wait3A_87] : memref<4x1024xf32, #tpu.memory_space<hbm>> -> memref<1x1024xf32, #tpu.memory_space<hbm>>
      %dma_wait3A_89 = tpu.memref_squeeze %dma_wait3A_88 : memref<1x1024xf32, #tpu.memory_space<hbm>> -> memref<1024xf32, #tpu.memory_space<hbm>>
      tpu.wait_dma2 semaphore(%run_scoped3A_77 : memref<!tpu.dma_semaphore, #tpu.memory_space<semaphore_mem>>) src(%dma_wait3A_89 : memref<1024xf32, #tpu.memory_space<hbm>>) dst(%arg8 : memref<1024xf32, #tpu.memory_space<vmem>>)
      tpu.yield
    }) : () -> ()
    %iota3A = tpu.iota {dimensions = array<i32: 0>} : vector<16xi32>
    %scan3A = arith.constant 6.300000e+01 : f32
    %scan3A_41 = arith.constant 0 : i32
    %scan3A_42 = arith.constant 8 : i32
    %scan3A_43 = arith.addi %scan3A_41, %scan3A_42 : i32
    %scan3A_44 = arith.constant 1 : i32
    scf.for %scan3A_77 = %scan3A_41 to %scan3A_43 step %scan3A_44  : i32 {
      %rem3A = arith.constant 2 : i32
      %rem3A_78 = arith.remsi %scan3A_77, %rem3A : i32
      %dma_wait3A_79 = arith.constant 0 : i32
      %dma_wait3A_80 = arith.constant 0 : i32
      %dma_wait3A_81 = tpu.memref_slice %arg9[%rem3A_78, %dma_wait3A_79, %dma_wait3A_80] : memref<2x64x200xf32, #tpu.memory_space<vmem>> -> memref<1x64x200xf32, #tpu.memory_space<vmem>>
      %dma_wait3A_82 = tpu.memref_squeeze %dma_wait3A_81 : memref<1x64x200xf32, #tpu.memory_space<vmem>> -> memref<64x200xf32, #tpu.memory_space<vmem>>
      %dma_wait3A_83 = arith.constant 0 : i32
      %dma_wait3A_84 = tpu.memref_slice %arg3[%mul3A_2, %dma_wait3A_83] : memref<16384x200xf32, #tpu.memory_space<hbm>> -> memref<64x200xf32, #tpu.memory_space<hbm>>
      %dma_wait3A_85 = tpu.memref_slice %arg11[%rem3A_78] : memref<2x!tpu.dma_semaphore, #tpu.memory_space<semaphore_mem>> -> memref<1x!tpu.dma_semaphore, #tpu.memory_space<semaphore_mem>>
      %dma_wait3A_86 = tpu.memref_squeeze %dma_wait3A_85 : memref<1x!tpu.dma_semaphore, #tpu.memory_space<semaphore_mem>> -> memref<!tpu.dma_semaphore, #tpu.memory_space<semaphore_mem>>
      %dma_wait3A_87 = arith.constant 0 : i32
      %dma_wait3A_88 = arith.constant 0 : i32
      %dma_wait3A_89 = tpu.memref_slice %arg9[%rem3A_78, %dma_wait3A_87, %dma_wait3A_88] : memref<2x64x200xf32, #tpu.memory_space<vmem>> -> memref<1x64x200xf32, #tpu.memory_space<vmem>>
      %dma_wait3A_90 = tpu.memref_squeeze %dma_wait3A_89 : memref<1x64x200xf32, #tpu.memory_space<vmem>> -> memref<64x200xf32, #tpu.memory_space<vmem>>
      %dma_wait3A_91 = arith.constant 0 : i32
      %dma_wait3A_92 = tpu.memref_slice %arg3[%mul3A_2, %dma_wait3A_91] : memref<16384x200xf32, #tpu.memory_space<hbm>> -> memref<64x200xf32, #tpu.memory_space<hbm>>
      tpu.wait_dma2 semaphore(%dma_wait3A_86 : memref<!tpu.dma_semaphore, #tpu.memory_space<semaphore_mem>>) src(%dma_wait3A_92 : memref<64x200xf32, #tpu.memory_space<hbm>>) dst(%dma_wait3A_90 : memref<64x200xf32, #tpu.memory_space<vmem>>)
      %ge3A = arith.constant 2 : i32
      %ge3A_93 = arith.cmpi sge, %scan3A_77, %ge3A : i32
      %convert_element_type3A = arith.extui %ge3A_93 : i1 to i32
      %cond3A = arith.constant 0 : i32
      %cond3A_94 = arith.cmpi ne, %convert_element_type3A, %cond3A : i32
      scf.if %cond3A_94 {
        %dma_wait3A_120 = arith.constant 0 : i32
        %dma_wait3A_121 = arith.constant 0 : i32
        %dma_wait3A_122 = tpu.memref_slice %arg10[%rem3A_78, %dma_wait3A_120, %dma_wait3A_121] : memref<2x64x200xf32, #tpu.memory_space<vmem>> -> memref<1x64x200xf32, #tpu.memory_space<vmem>>
        %dma_wait3A_123 = tpu.memref_squeeze %dma_wait3A_122 : memref<1x64x200xf32, #tpu.memory_space<vmem>> -> memref<64x200xf32, #tpu.memory_space<vmem>>
        %dma_wait3A_124 = arith.constant 0 : i32
        %dma_wait3A_125 = tpu.memref_slice %arg4[%mul3A_2, %dma_wait3A_124] : memref<16384x200xf32, #tpu.memory_space<hbm>> -> memref<64x200xf32, #tpu.memory_space<hbm>>
        %dma_wait3A_126 = tpu.memref_slice %arg12[%rem3A_78] : memref<2x!tpu.dma_semaphore, #tpu.memory_space<semaphore_mem>> -> memref<1x!tpu.dma_semaphore, #tpu.memory_space<semaphore_mem>>
        %dma_wait3A_127 = tpu.memref_squeeze %dma_wait3A_126 : memref<1x!tpu.dma_semaphore, #tpu.memory_space<semaphore_mem>> -> memref<!tpu.dma_semaphore, #tpu.memory_space<semaphore_mem>>
        %dma_wait3A_128 = arith.constant 0 : i32
        %dma_wait3A_129 = tpu.memref_slice %arg4[%mul3A_2, %dma_wait3A_128] : memref<16384x200xf32, #tpu.memory_space<hbm>> -> memref<64x200xf32, #tpu.memory_space<hbm>>
        %dma_wait3A_130 = arith.constant 0 : i32
        %dma_wait3A_131 = arith.constant 0 : i32
        %dma_wait3A_132 = tpu.memref_slice %arg10[%rem3A_78, %dma_wait3A_130, %dma_wait3A_131] : memref<2x64x200xf32, #tpu.memory_space<vmem>> -> memref<1x64x200xf32, #tpu.memory_space<vmem>>
        %dma_wait3A_133 = tpu.memref_squeeze %dma_wait3A_132 : memref<1x64x200xf32, #tpu.memory_space<vmem>> -> memref<64x200xf32, #tpu.memory_space<vmem>>
        tpu.wait_dma2 semaphore(%dma_wait3A_127 : memref<!tpu.dma_semaphore, #tpu.memory_space<semaphore_mem>>) src(%dma_wait3A_133 : memref<64x200xf32, #tpu.memory_space<vmem>>) dst(%dma_wait3A_129 : memref<64x200xf32, #tpu.memory_space<hbm>>)
      } else {
      }
      %parallel_loop3A = arith.constant 0 : i32
      %parallel_loop3A_95 = arith.constant 64 : i32
      %parallel_loop3A_96 = arith.constant 1 : i32
      scf.for %parallel_loop3A_120 = %parallel_loop3A to %parallel_loop3A_95 step %parallel_loop3A_96  : i32 {
        %parallel_loop3A_121 = arith.index_cast %rem3A_78 : i32 to index
        %parallel_loop3A_122 = arith.index_cast %parallel_loop3A_120 : i32 to index
        %parallel_loop3A_123 = arith.constant 0 : index
        %parallel_loop3A_124 = tpu.vector_load %arg9[%parallel_loop3A_121, %parallel_loop3A_122, %parallel_loop3A_123] {strides = array<i32>} : memref<2x64x200xf32, #tpu.memory_space<vmem>>, vector<16xf32>,
        %parallel_loop3A_125 = vector.broadcast %scan3A : f32 to vector<16xf32>
        %parallel_loop3A_126 = arith.mulf %parallel_loop3A_124, %parallel_loop3A_125 : vector<16xf32>
        %parallel_loop3A_127 = arith.fptosi %parallel_loop3A_126 : vector<16xf32> to vector<16xi32>
        %parallel_loop3A_128 = arith.constant 0 : i32
        %parallel_loop3A_129 = vector.broadcast %parallel_loop3A_128 : i32 to vector<16xi32>
        %parallel_loop3A_130 = arith.maxsi %parallel_loop3A_127, %parallel_loop3A_129 : vector<16xi32>
        %parallel_loop3A_131 = arith.constant 62 : i32
        %parallel_loop3A_132 = vector.broadcast %parallel_loop3A_131 : i32 to vector<16xi32>
        %parallel_loop3A_133 = arith.minsi %parallel_loop3A_130, %parallel_loop3A_132 : vector<16xi32>
        %parallel_loop3A_134 = arith.sitofp %parallel_loop3A_133 : vector<16xi32> to vector<16xf32>
        %parallel_loop3A_135 = arith.subf %parallel_loop3A_126, %parallel_loop3A_134 : vector<16xf32>
        %parallel_loop3A_136 = arith.constant 16 : i32
        %parallel_loop3A_137 = vector.broadcast %parallel_loop3A_136 : i32 to vector<16xi32>
        %parallel_loop3A_138 = arith.muli %parallel_loop3A_133, %parallel_loop3A_137 : vector<16xi32>
        %parallel_loop3A_139 = arith.addi %parallel_loop3A_138, %iota3A : vector<16xi32>
        %parallel_loop3A_140 = tpu.vector_load_idx %arg5[%parallel_loop3A_139] : memref<1024xf32, #tpu.memory_space<vmem>>[vector<16xi32>], vector<16xf32>,
        %parallel_loop3A_141 = tpu.vector_load_idx %arg6[%parallel_loop3A_139] : memref<1024xf32, #tpu.memory_space<vmem>>[vector<16xi32>], vector<16xf32>,
        %parallel_loop3A_142 = tpu.vector_load_idx %arg7[%parallel_loop3A_139] : memref<1024xf32, #tpu.memory_space<vmem>>[vector<16xi32>], vector<16xf32>,
        %parallel_loop3A_143 = tpu.vector_load_idx %arg8[%parallel_loop3A_139] : memref<1024xf32, #tpu.memory_space<vmem>>[vector<16xi32>], vector<16xf32>,
        %parallel_loop3A_144 = arith.mulf %parallel_loop3A_143, %parallel_loop3A_135 : vector<16xf32>
        %parallel_loop3A_145 = arith.addf %parallel_loop3A_144, %parallel_loop3A_142 : vector<16xf32>
        %parallel_loop3A_146 = arith.mulf %parallel_loop3A_145, %parallel_loop3A_135 : vector<16xf32>
        %parallel_loop3A_147 = arith.addf %parallel_loop3A_146, %parallel_loop3A_141 : vector<16xf32>
        %parallel_loop3A_148 = arith.mulf %parallel_loop3A_147, %parallel_loop3A_135 : vector<16xf32>
        %parallel_loop3A_149 = arith.addf %parallel_loop3A_148, %parallel_loop3A_140 : vector<16xf32>
        %parallel_loop3A_150 = arith.index_cast %rem3A_78 : i32 to index
        %parallel_loop3A_151 = arith.index_cast %parallel_loop3A_120 : i32 to index
        %parallel_loop3A_152 = arith.constant 0 : index
        %parallel_loop3A_153 = tpu.vector_load %arg10[%parallel_loop3A_150, %parallel_loop3A_151, %parallel_loop3A_152] {strides = array<i32>} : memref<2x64x200xf32, #tpu.memory_space<vmem>>, vector<16xf32>,
        tpu.vector_store %arg10[%parallel_loop3A_150, %parallel_loop3A_151, %parallel_loop3A_152], %parallel_loop3A_149 {strides = array<i32>} : memref<2x64x200xf32, #tpu.memory_space<vmem>>, vector<16xf32>,
        %parallel_loop3A_154 = arith.index_cast %rem3A_78 : i32 to index
        %parallel_loop3A_155 = arith.index_cast %parallel_loop3A_120 : i32 to index
        %parallel_loop3A_156 = arith.constant 16 : index
        %parallel_loop3A_157 = tpu.vector_load %arg9[%parallel_loop3A_154, %parallel_loop3A_155, %parallel_loop3A_156] {strides = array<i32>} : memref<2x64x200xf32, #tpu.memory_space<vmem>>, vector<16xf32>,
        %parallel_loop3A_158 = vector.broadcast %scan3A : f32 to vector<16xf32>
        %parallel_loop3A_159 = arith.mulf %parallel_loop3A_157, %parallel_loop3A_158 : vector<16xf32>
        %parallel_loop3A_160 = arith.fptosi %parallel_loop3A_159 : vector<16xf32> to vector<16xi32>
        %parallel_loop3A_161 = arith.constant 0 : i32
        %parallel_loop3A_162 = vector.broadcast %parallel_loop3A_161 : i32 to vector<16xi32>
        %parallel_loop3A_163 = arith.maxsi %parallel_loop3A_160, %parallel_loop3A_162 : vector<16xi32>
        %parallel_loop3A_164 = arith.constant 62 : i32
        %parallel_loop3A_165 = vector.broadcast %parallel_loop3A_164 : i32 to vector<16xi32>
        %parallel_loop3A_166 = arith.minsi %parallel_loop3A_163, %parallel_loop3A_165 : vector<16xi32>
        %parallel_loop3A_167 = arith.sitofp %parallel_loop3A_166 : vector<16xi32> to vector<16xf32>
        %parallel_loop3A_168 = arith.subf %parallel_loop3A_159, %parallel_loop3A_167 : vector<16xf32>
        %parallel_loop3A_169 = arith.constant 16 : i32
        %parallel_loop3A_170 = vector.broadcast %parallel_loop3A_169 : i32 to vector<16xi32>
        %parallel_loop3A_171 = arith.muli %parallel_loop3A_166, %parallel_loop3A_170 : vector<16xi32>
        %parallel_loop3A_172 = arith.addi %parallel_loop3A_171, %iota3A : vector<16xi32>
        %parallel_loop3A_173 = tpu.vector_load_idx %arg5[%parallel_loop3A_172] : memref<1024xf32, #tpu.memory_space<vmem>>[vector<16xi32>], vector<16xf32>,
        %parallel_loop3A_174 = tpu.vector_load_idx %arg6[%parallel_loop3A_172] : memref<1024xf32, #tpu.memory_space<vmem>>[vector<16xi32>], vector<16xf32>,
        %parallel_loop3A_175 = tpu.vector_load_idx %arg7[%parallel_loop3A_172] : memref<1024xf32, #tpu.memory_space<vmem>>[vector<16xi32>], vector<16xf32>,
        %parallel_loop3A_176 = tpu.vector_load_idx %arg8[%parallel_loop3A_172] : memref<1024xf32, #tpu.memory_space<vmem>>[vector<16xi32>], vector<16xf32>,
        %parallel_loop3A_177 = arith.mulf %parallel_loop3A_176, %parallel_loop3A_168 : vector<16xf32>
        %parallel_loop3A_178 = arith.addf %parallel_loop3A_177, %parallel_loop3A_175 : vector<16xf32>
        %parallel_loop3A_179 = arith.mulf %parallel_loop3A_178, %parallel_loop3A_168 : vector<16xf32>
        %parallel_loop3A_180 = arith.addf %parallel_loop3A_179, %parallel_loop3A_174 : vector<16xf32>
        %parallel_loop3A_181 = arith.mulf %parallel_loop3A_180, %parallel_loop3A_168 : vector<16xf32>
        %parallel_loop3A_182 = arith.addf %parallel_loop3A_181, %parallel_loop3A_173 : vector<16xf32>
        %parallel_loop3A_183 = arith.index_cast %rem3A_78 : i32 to index
        %parallel_loop3A_184 = arith.index_cast %parallel_loop3A_120 : i32 to index
        %parallel_loop3A_185 = arith.constant 16 : index
        %parallel_loop3A_186 = tpu.vector_load %arg10[%parallel_loop3A_183, %parallel_loop3A_184, %parallel_loop3A_185] {strides = array<i32>} : memref<2x64x200xf32, #tpu.memory_space<vmem>>, vector<16xf32>,
        tpu.vector_store %arg10[%parallel_loop3A_183, %parallel_loop3A_184, %parallel_loop3A_185], %parallel_loop3A_182 {strides = array<i32>} : memref<2x64x200xf32, #tpu.memory_space<vmem>>, vector<16xf32>,
        %parallel_loop3A_187 = arith.index_cast %rem3A_78 : i32 to index
        %parallel_loop3A_188 = arith.index_cast %parallel_loop3A_120 : i32 to index
        %parallel_loop3A_189 = arith.constant 32 : index
        %parallel_loop3A_190 = tpu.vector_load %arg9[%parallel_loop3A_187, %parallel_loop3A_188, %parallel_loop3A_189] {strides = array<i32>} : memref<2x64x200xf32, #tpu.memory_space<vmem>>, vector<16xf32>,
        %parallel_loop3A_191 = vector.broadcast %scan3A : f32 to vector<16xf32>
        %parallel_loop3A_192 = arith.mulf %parallel_loop3A_190, %parallel_loop3A_191 : vector<16xf32>
        %parallel_loop3A_193 = arith.fptosi %parallel_loop3A_192 : vector<16xf32> to vector<16xi32>
        %parallel_loop3A_194 = arith.constant 0 : i32
        %parallel_loop3A_195 = vector.broadcast %parallel_loop3A_194 : i32 to vector<16xi32>
        %parallel_loop3A_196 = arith.maxsi %parallel_loop3A_193, %parallel_loop3A_195 : vector<16xi32>
        %parallel_loop3A_197 = arith.constant 62 : i32
        %parallel_loop3A_198 = vector.broadcast %parallel_loop3A_197 : i32 to vector<16xi32>
        %parallel_loop3A_199 = arith.minsi %parallel_loop3A_196, %parallel_loop3A_198 : vector<16xi32>
        %parallel_loop3A_200 = arith.sitofp %parallel_loop3A_199 : vector<16xi32> to vector<16xf32>
        %parallel_loop3A_201 = arith.subf %parallel_loop3A_192, %parallel_loop3A_200 : vector<16xf32>
        %parallel_loop3A_202 = arith.constant 16 : i32
        %parallel_loop3A_203 = vector.broadcast %parallel_loop3A_202 : i32 to vector<16xi32>
        %parallel_loop3A_204 = arith.muli %parallel_loop3A_199, %parallel_loop3A_203 : vector<16xi32>
        %parallel_loop3A_205 = arith.addi %parallel_loop3A_204, %iota3A : vector<16xi32>
        %parallel_loop3A_206 = tpu.vector_load_idx %arg5[%parallel_loop3A_205] : memref<1024xf32, #tpu.memory_space<vmem>>[vector<16xi32>], vector<16xf32>,
        %parallel_loop3A_207 = tpu.vector_load_idx %arg6[%parallel_loop3A_205] : memref<1024xf32, #tpu.memory_space<vmem>>[vector<16xi32>], vector<16xf32>,
        %parallel_loop3A_208 = tpu.vector_load_idx %arg7[%parallel_loop3A_205] : memref<1024xf32, #tpu.memory_space<vmem>>[vector<16xi32>], vector<16xf32>,
        %parallel_loop3A_209 = tpu.vector_load_idx %arg8[%parallel_loop3A_205] : memref<1024xf32, #tpu.memory_space<vmem>>[vector<16xi32>], vector<16xf32>,
        %parallel_loop3A_210 = arith.mulf %parallel_loop3A_209, %parallel_loop3A_201 : vector<16xf32>
        %parallel_loop3A_211 = arith.addf %parallel_loop3A_210, %parallel_loop3A_208 : vector<16xf32>
        %parallel_loop3A_212 = arith.mulf %parallel_loop3A_211, %parallel_loop3A_201 : vector<16xf32>
        %parallel_loop3A_213 = arith.addf %parallel_loop3A_212, %parallel_loop3A_207 : vector<16xf32>
        %parallel_loop3A_214 = arith.mulf %parallel_loop3A_213, %parallel_loop3A_201 : vector<16xf32>
        %parallel_loop3A_215 = arith.addf %parallel_loop3A_214, %parallel_loop3A_206 : vector<16xf32>
        %parallel_loop3A_216 = arith.index_cast %rem3A_78 : i32 to index
        %parallel_loop3A_217 = arith.index_cast %parallel_loop3A_120 : i32 to index
        %parallel_loop3A_218 = arith.constant 32 : index
        %parallel_loop3A_219 = tpu.vector_load %arg10[%parallel_loop3A_216, %parallel_loop3A_217, %parallel_loop3A_218] {strides = array<i32>} : memref<2x64x200xf32, #tpu.memory_space<vmem>>, vector<16xf32>,
        tpu.vector_store %arg10[%parallel_loop3A_216, %parallel_loop3A_217, %parallel_loop3A_218], %parallel_loop3A_215 {strides = array<i32>} : memref<2x64x200xf32, #tpu.memory_space<vmem>>, vector<16xf32>,
        %parallel_loop3A_220 = arith.index_cast %rem3A_78 : i32 to index
        %parallel_loop3A_221 = arith.index_cast %parallel_loop3A_120 : i32 to index
        %parallel_loop3A_222 = arith.constant 48 : index
        %parallel_loop3A_223 = tpu.vector_load %arg9[%parallel_loop3A_220, %parallel_loop3A_221, %parallel_loop3A_222] {strides = array<i32>} : memref<2x64x200xf32, #tpu.memory_space<vmem>>, vector<16xf32>,
        %parallel_loop3A_224 = vector.broadcast %scan3A : f32 to vector<16xf32>
        %parallel_loop3A_225 = arith.mulf %parallel_loop3A_223, %parallel_loop3A_224 : vector<16xf32>
        %parallel_loop3A_226 = arith.fptosi %parallel_loop3A_225 : vector<16xf32> to vector<16xi32>
        %parallel_loop3A_227 = arith.constant 0 : i32
        %parallel_loop3A_228 = vector.broadcast %parallel_loop3A_227 : i32 to vector<16xi32>
        %parallel_loop3A_229 = arith.maxsi %parallel_loop3A_226, %parallel_loop3A_228 : vector<16xi32>
        %parallel_loop3A_230 = arith.constant 62 : i32
        %parallel_loop3A_231 = vector.broadcast %parallel_loop3A_230 : i32 to vector<16xi32>
        %parallel_loop3A_232 = arith.minsi %parallel_loop3A_229, %parallel_loop3A_231 : vector<16xi32>
        %parallel_loop3A_233 = arith.sitofp %parallel_loop3A_232 : vector<16xi32> to vector<16xf32>
        %parallel_loop3A_234 = arith.subf %parallel_loop3A_225, %parallel_loop3A_233 : vector<16xf32>
        %parallel_loop3A_235 = arith.constant 16 : i32
        %parallel_loop3A_236 = vector.broadcast %parallel_loop3A_235 : i32 to vector<16xi32>
        %parallel_loop3A_237 = arith.muli %parallel_loop3A_232, %parallel_loop3A_236 : vector<16xi32>
        %parallel_loop3A_238 = arith.addi %parallel_loop3A_237, %iota3A : vector<16xi32>
        %parallel_loop3A_239 = tpu.vector_load_idx %arg5[%parallel_loop3A_238] : memref<1024xf32, #tpu.memory_space<vmem>>[vector<16xi32>], vector<16xf32>,
        %parallel_loop3A_240 = tpu.vector_load_idx %arg6[%parallel_loop3A_238] : memref<1024xf32, #tpu.memory_space<vmem>>[vector<16xi32>], vector<16xf32>,
        %parallel_loop3A_241 = tpu.vector_load_idx %arg7[%parallel_loop3A_238] : memref<1024xf32, #tpu.memory_space<vmem>>[vector<16xi32>], vector<16xf32>,
        %parallel_loop3A_242 = tpu.vector_load_idx %arg8[%parallel_loop3A_238] : memref<1024xf32, #tpu.memory_space<vmem>>[vector<16xi32>], vector<16xf32>,
        %parallel_loop3A_243 = arith.mulf %parallel_loop3A_242, %parallel_loop3A_234 : vector<16xf32>
        %parallel_loop3A_244 = arith.addf %parallel_loop3A_243, %parallel_loop3A_241 : vector<16xf32>
        %parallel_loop3A_245 = arith.mulf %parallel_loop3A_244, %parallel_loop3A_234 : vector<16xf32>
        %parallel_loop3A_246 = arith.addf %parallel_loop3A_245, %parallel_loop3A_240 : vector<16xf32>
        %parallel_loop3A_247 = arith.mulf %parallel_loop3A_246, %parallel_loop3A_234 : vector<16xf32>
        %parallel_loop3A_248 = arith.addf %parallel_loop3A_247, %parallel_loop3A_239 : vector<16xf32>
        %parallel_loop3A_249 = arith.index_cast %rem3A_78 : i32 to index
        %parallel_loop3A_250 = arith.index_cast %parallel_loop3A_120 : i32 to index
        %parallel_loop3A_251 = arith.constant 48 : index
        %parallel_loop3A_252 = tpu.vector_load %arg10[%parallel_loop3A_249, %parallel_loop3A_250, %parallel_loop3A_251] {strides = array<i32>} : memref<2x64x200xf32, #tpu.memory_space<vmem>>, vector<16xf32>,
        tpu.vector_store %arg10[%parallel_loop3A_249, %parallel_loop3A_250, %parallel_loop3A_251], %parallel_loop3A_248 {strides = array<i32>} : memref<2x64x200xf32, #tpu.memory_space<vmem>>, vector<16xf32>,
        %parallel_loop3A_253 = arith.index_cast %rem3A_78 : i32 to index
        %parallel_loop3A_254 = arith.index_cast %parallel_loop3A_120 : i32 to index
        %parallel_loop3A_255 = arith.constant 64 : index
        %parallel_loop3A_256 = tpu.vector_load %arg9[%parallel_loop3A_253, %parallel_loop3A_254, %parallel_loop3A_255] {strides = array<i32>} : memref<2x64x200xf32, #tpu.memory_space<vmem>>, vector<16xf32>,
        %parallel_loop3A_257 = vector.broadcast %scan3A : f32 to vector<16xf32>
        %parallel_loop3A_258 = arith.mulf %parallel_loop3A_256, %parallel_loop3A_257 : vector<16xf32>
        %parallel_loop3A_259 = arith.fptosi %parallel_loop3A_258 : vector<16xf32> to vector<16xi32>
        %parallel_loop3A_260 = arith.constant 0 : i32
        %parallel_loop3A_261 = vector.broadcast %parallel_loop3A_260 : i32 to vector<16xi32>
        %parallel_loop3A_262 = arith.maxsi %parallel_loop3A_259, %parallel_loop3A_261 : vector<16xi32>
        %parallel_loop3A_263 = arith.constant 62 : i32
        %parallel_loop3A_264 = vector.broadcast %parallel_loop3A_263 : i32 to vector<16xi32>
        %parallel_loop3A_265 = arith.minsi %parallel_loop3A_262, %parallel_loop3A_264 : vector<16xi32>
        %parallel_loop3A_266 = arith.sitofp %parallel_loop3A_265 : vector<16xi32> to vector<16xf32>
        %parallel_loop3A_267 = arith.subf %parallel_loop3A_258, %parallel_loop3A_266 : vector<16xf32>
        %parallel_loop3A_268 = arith.constant 16 : i32
        %parallel_loop3A_269 = vector.broadcast %parallel_loop3A_268 : i32 to vector<16xi32>
        %parallel_loop3A_270 = arith.muli %parallel_loop3A_265, %parallel_loop3A_269 : vector<16xi32>
        %parallel_loop3A_271 = arith.addi %parallel_loop3A_270, %iota3A : vector<16xi32>
        %parallel_loop3A_272 = tpu.vector_load_idx %arg5[%parallel_loop3A_271] : memref<1024xf32, #tpu.memory_space<vmem>>[vector<16xi32>], vector<16xf32>,
        %parallel_loop3A_273 = tpu.vector_load_idx %arg6[%parallel_loop3A_271] : memref<1024xf32, #tpu.memory_space<vmem>>[vector<16xi32>], vector<16xf32>,
        %parallel_loop3A_274 = tpu.vector_load_idx %arg7[%parallel_loop3A_271] : memref<1024xf32, #tpu.memory_space<vmem>>[vector<16xi32>], vector<16xf32>,
        %parallel_loop3A_275 = tpu.vector_load_idx %arg8[%parallel_loop3A_271] : memref<1024xf32, #tpu.memory_space<vmem>>[vector<16xi32>], vector<16xf32>,
        %parallel_loop3A_276 = arith.mulf %parallel_loop3A_275, %parallel_loop3A_267 : vector<16xf32>
        %parallel_loop3A_277 = arith.addf %parallel_loop3A_276, %parallel_loop3A_274 : vector<16xf32>
        %parallel_loop3A_278 = arith.mulf %parallel_loop3A_277, %parallel_loop3A_267 : vector<16xf32>
        %parallel_loop3A_279 = arith.addf %parallel_loop3A_278, %parallel_loop3A_273 : vector<16xf32>
        %parallel_loop3A_280 = arith.mulf %parallel_loop3A_279, %parallel_loop3A_267 : vector<16xf32>
        %parallel_loop3A_281 = arith.addf %parallel_loop3A_280, %parallel_loop3A_272 : vector<16xf32>
        %parallel_loop3A_282 = arith.index_cast %rem3A_78 : i32 to index
        %parallel_loop3A_283 = arith.index_cast %parallel_loop3A_120 : i32 to index
        %parallel_loop3A_284 = arith.constant 64 : index
        %parallel_loop3A_285 = tpu.vector_load %arg10[%parallel_loop3A_282, %parallel_loop3A_283, %parallel_loop3A_284] {strides = array<i32>} : memref<2x64x200xf32, #tpu.memory_space<vmem>>, vector<16xf32>,
        tpu.vector_store %arg10[%parallel_loop3A_282, %parallel_loop3A_283, %parallel_loop3A_284], %parallel_loop3A_281 {strides = array<i32>} : memref<2x64x200xf32, #tpu.memory_space<vmem>>, vector<16xf32>,
        %parallel_loop3A_286 = arith.index_cast %rem3A_78 : i32 to index
        %parallel_loop3A_287 = arith.index_cast %parallel_loop3A_120 : i32 to index
        %parallel_loop3A_288 = arith.constant 80 : index
        %parallel_loop3A_289 = tpu.vector_load %arg9[%parallel_loop3A_286, %parallel_loop3A_287, %parallel_loop3A_288] {strides = array<i32>} : memref<2x64x200xf32, #tpu.memory_space<vmem>>, vector<16xf32>,
        %parallel_loop3A_290 = vector.broadcast %scan3A : f32 to vector<16xf32>
        %parallel_loop3A_291 = arith.mulf %parallel_loop3A_289, %parallel_loop3A_290 : vector<16xf32>
        %parallel_loop3A_292 = arith.fptosi %parallel_loop3A_291 : vector<16xf32> to vector<16xi32>
        %parallel_loop3A_293 = arith.constant 0 : i32
        %parallel_loop3A_294 = vector.broadcast %parallel_loop3A_293 : i32 to vector<16xi32>
        %parallel_loop3A_295 = arith.maxsi %parallel_loop3A_292, %parallel_loop3A_294 : vector<16xi32>
        %parallel_loop3A_296 = arith.constant 62 : i32
        %parallel_loop3A_297 = vector.broadcast %parallel_loop3A_296 : i32 to vector<16xi32>
        %parallel_loop3A_298 = arith.minsi %parallel_loop3A_295, %parallel_loop3A_297 : vector<16xi32>
        %parallel_loop3A_299 = arith.sitofp %parallel_loop3A_298 : vector<16xi32> to vector<16xf32>
        %parallel_loop3A_300 = arith.subf %parallel_loop3A_291, %parallel_loop3A_299 : vector<16xf32>
        %parallel_loop3A_301 = arith.constant 16 : i32
        %parallel_loop3A_302 = vector.broadcast %parallel_loop3A_301 : i32 to vector<16xi32>
        %parallel_loop3A_303 = arith.muli %parallel_loop3A_298, %parallel_loop3A_302 : vector<16xi32>
        %parallel_loop3A_304 = arith.addi %parallel_loop3A_303, %iota3A : vector<16xi32>
        %parallel_loop3A_305 = tpu.vector_load_idx %arg5[%parallel_loop3A_304] : memref<1024xf32, #tpu.memory_space<vmem>>[vector<16xi32>], vector<16xf32>,
        %parallel_loop3A_306 = tpu.vector_load_idx %arg6[%parallel_loop3A_304] : memref<1024xf32, #tpu.memory_space<vmem>>[vector<16xi32>], vector<16xf32>,
        %parallel_loop3A_307 = tpu.vector_load_idx %arg7[%parallel_loop3A_304] : memref<1024xf32, #tpu.memory_space<vmem>>[vector<16xi32>], vector<16xf32>,
        %parallel_loop3A_308 = tpu.vector_load_idx %arg8[%parallel_loop3A_304] : memref<1024xf32, #tpu.memory_space<vmem>>[vector<16xi32>], vector<16xf32>,
        %parallel_loop3A_309 = arith.mulf %parallel_loop3A_308, %parallel_loop3A_300 : vector<16xf32>
        %parallel_loop3A_310 = arith.addf %parallel_loop3A_309, %parallel_loop3A_307 : vector<16xf32>
        %parallel_loop3A_311 = arith.mulf %parallel_loop3A_310, %parallel_loop3A_300 : vector<16xf32>
        %parallel_loop3A_312 = arith.addf %parallel_loop3A_311, %parallel_loop3A_306 : vector<16xf32>
        %parallel_loop3A_313 = arith.mulf %parallel_loop3A_312, %parallel_loop3A_300 : vector<16xf32>
        %parallel_loop3A_314 = arith.addf %parallel_loop3A_313, %parallel_loop3A_305 : vector<16xf32>
        %parallel_loop3A_315 = arith.index_cast %rem3A_78 : i32 to index
        %parallel_loop3A_316 = arith.index_cast %parallel_loop3A_120 : i32 to index
        %parallel_loop3A_317 = arith.constant 80 : index
        %parallel_loop3A_318 = tpu.vector_load %arg10[%parallel_loop3A_315, %parallel_loop3A_316, %parallel_loop3A_317] {strides = array<i32>} : memref<2x64x200xf32, #tpu.memory_space<vmem>>, vector<16xf32>,
        tpu.vector_store %arg10[%parallel_loop3A_315, %parallel_loop3A_316, %parallel_loop3A_317], %parallel_loop3A_314 {strides = array<i32>} : memref<2x64x200xf32, #tpu.memory_space<vmem>>, vector<16xf32>,
        %parallel_loop3A_319 = arith.index_cast %rem3A_78 : i32 to index
        %parallel_loop3A_320 = arith.index_cast %parallel_loop3A_120 : i32 to index
        %parallel_loop3A_321 = arith.constant 96 : index
        %parallel_loop3A_322 = tpu.vector_load %arg9[%parallel_loop3A_319, %parallel_loop3A_320, %parallel_loop3A_321] {strides = array<i32>} : memref<2x64x200xf32, #tpu.memory_space<vmem>>, vector<16xf32>,
        %parallel_loop3A_323 = vector.broadcast %scan3A : f32 to vector<16xf32>
        %parallel_loop3A_324 = arith.mulf %parallel_loop3A_322, %parallel_loop3A_323 : vector<16xf32>
        %parallel_loop3A_325 = arith.fptosi %parallel_loop3A_324 : vector<16xf32> to vector<16xi32>
        %parallel_loop3A_326 = arith.constant 0 : i32
        %parallel_loop3A_327 = vector.broadcast %parallel_loop3A_326 : i32 to vector<16xi32>
        %parallel_loop3A_328 = arith.maxsi %parallel_loop3A_325, %parallel_loop3A_327 : vector<16xi32>
        %parallel_loop3A_329 = arith.constant 62 : i32
        %parallel_loop3A_330 = vector.broadcast %parallel_loop3A_329 : i32 to vector<16xi32>
        %parallel_loop3A_331 = arith.minsi %parallel_loop3A_328, %parallel_loop3A_330 : vector<16xi32>
        %parallel_loop3A_332 = arith.sitofp %parallel_loop3A_331 : vector<16xi32> to vector<16xf32>
        %parallel_loop3A_333 = arith.subf %parallel_loop3A_324, %parallel_loop3A_332 : vector<16xf32>
        %parallel_loop3A_334 = arith.constant 16 : i32
        %parallel_loop3A_335 = vector.broadcast %parallel_loop3A_334 : i32 to vector<16xi32>
        %parallel_loop3A_336 = arith.muli %parallel_loop3A_331, %parallel_loop3A_335 : vector<16xi32>
        %parallel_loop3A_337 = arith.addi %parallel_loop3A_336, %iota3A : vector<16xi32>
        %parallel_loop3A_338 = tpu.vector_load_idx %arg5[%parallel_loop3A_337] : memref<1024xf32, #tpu.memory_space<vmem>>[vector<16xi32>], vector<16xf32>,
        %parallel_loop3A_339 = tpu.vector_load_idx %arg6[%parallel_loop3A_337] : memref<1024xf32, #tpu.memory_space<vmem>>[vector<16xi32>], vector<16xf32>,
        %parallel_loop3A_340 = tpu.vector_load_idx %arg7[%parallel_loop3A_337] : memref<1024xf32, #tpu.memory_space<vmem>>[vector<16xi32>], vector<16xf32>,
        %parallel_loop3A_341 = tpu.vector_load_idx %arg8[%parallel_loop3A_337] : memref<1024xf32, #tpu.memory_space<vmem>>[vector<16xi32>], vector<16xf32>,
        %parallel_loop3A_342 = arith.mulf %parallel_loop3A_341, %parallel_loop3A_333 : vector<16xf32>
        %parallel_loop3A_343 = arith.addf %parallel_loop3A_342, %parallel_loop3A_340 : vector<16xf32>
        %parallel_loop3A_344 = arith.mulf %parallel_loop3A_343, %parallel_loop3A_333 : vector<16xf32>
        %parallel_loop3A_345 = arith.addf %parallel_loop3A_344, %parallel_loop3A_339 : vector<16xf32>
        %parallel_loop3A_346 = arith.mulf %parallel_loop3A_345, %parallel_loop3A_333 : vector<16xf32>
        %parallel_loop3A_347 = arith.addf %parallel_loop3A_346, %parallel_loop3A_338 : vector<16xf32>
        %parallel_loop3A_348 = arith.index_cast %rem3A_78 : i32 to index
        %parallel_loop3A_349 = arith.index_cast %parallel_loop3A_120 : i32 to index
        %parallel_loop3A_350 = arith.constant 96 : index
        %parallel_loop3A_351 = tpu.vector_load %arg10[%parallel_loop3A_348, %parallel_loop3A_349, %parallel_loop3A_350] {strides = array<i32>} : memref<2x64x200xf32, #tpu.memory_space<vmem>>, vector<16xf32>,
        tpu.vector_store %arg10[%parallel_loop3A_348, %parallel_loop3A_349, %parallel_loop3A_350], %parallel_loop3A_347 {strides = array<i32>} : memref<2x64x200xf32, #tpu.memory_space<vmem>>, vector<16xf32>,
        %parallel_loop3A_352 = arith.index_cast %rem3A_78 : i32 to index
        %parallel_loop3A_353 = arith.index_cast %parallel_loop3A_120 : i32 to index
        %parallel_loop3A_354 = arith.constant 112 : index
        %parallel_loop3A_355 = tpu.vector_load %arg9[%parallel_loop3A_352, %parallel_loop3A_353, %parallel_loop3A_354] {strides = array<i32>} : memref<2x64x200xf32, #tpu.memory_space<vmem>>, vector<16xf32>,
        %parallel_loop3A_356 = vector.broadcast %scan3A : f32 to vector<16xf32>
        %parallel_loop3A_357 = arith.mulf %parallel_loop3A_355, %parallel_loop3A_356 : vector<16xf32>
        %parallel_loop3A_358 = arith.fptosi %parallel_loop3A_357 : vector<16xf32> to vector<16xi32>
        %parallel_loop3A_359 = arith.constant 0 : i32
        %parallel_loop3A_360 = vector.broadcast %parallel_loop3A_359 : i32 to vector<16xi32>
        %parallel_loop3A_361 = arith.maxsi %parallel_loop3A_358, %parallel_loop3A_360 : vector<16xi32>
        %parallel_loop3A_362 = arith.constant 62 : i32
        %parallel_loop3A_363 = vector.broadcast %parallel_loop3A_362 : i32 to vector<16xi32>
        %parallel_loop3A_364 = arith.minsi %parallel_loop3A_361, %parallel_loop3A_363 : vector<16xi32>
        %parallel_loop3A_365 = arith.sitofp %parallel_loop3A_364 : vector<16xi32> to vector<16xf32>
        %parallel_loop3A_366 = arith.subf %parallel_loop3A_357, %parallel_loop3A_365 : vector<16xf32>
        %parallel_loop3A_367 = arith.constant 16 : i32
        %parallel_loop3A_368 = vector.broadcast %parallel_loop3A_367 : i32 to vector<16xi32>
        %parallel_loop3A_369 = arith.muli %parallel_loop3A_364, %parallel_loop3A_368 : vector<16xi32>
        %parallel_loop3A_370 = arith.addi %parallel_loop3A_369, %iota3A : vector<16xi32>
        %parallel_loop3A_371 = tpu.vector_load_idx %arg5[%parallel_loop3A_370] : memref<1024xf32, #tpu.memory_space<vmem>>[vector<16xi32>], vector<16xf32>,
        %parallel_loop3A_372 = tpu.vector_load_idx %arg6[%parallel_loop3A_370] : memref<1024xf32, #tpu.memory_space<vmem>>[vector<16xi32>], vector<16xf32>,
        %parallel_loop3A_373 = tpu.vector_load_idx %arg7[%parallel_loop3A_370] : memref<1024xf32, #tpu.memory_space<vmem>>[vector<16xi32>], vector<16xf32>,
        %parallel_loop3A_374 = tpu.vector_load_idx %arg8[%parallel_loop3A_370] : memref<1024xf32, #tpu.memory_space<vmem>>[vector<16xi32>], vector<16xf32>,
        %parallel_loop3A_375 = arith.mulf %parallel_loop3A_374, %parallel_loop3A_366 : vector<16xf32>
        %parallel_loop3A_376 = arith.addf %parallel_loop3A_375, %parallel_loop3A_373 : vector<16xf32>
        %parallel_loop3A_377 = arith.mulf %parallel_loop3A_376, %parallel_loop3A_366 : vector<16xf32>
        %parallel_loop3A_378 = arith.addf %parallel_loop3A_377, %parallel_loop3A_372 : vector<16xf32>
        %parallel_loop3A_379 = arith.mulf %parallel_loop3A_378, %parallel_loop3A_366 : vector<16xf32>
        %parallel_loop3A_380 = arith.addf %parallel_loop3A_379, %parallel_loop3A_371 : vector<16xf32>
        %parallel_loop3A_381 = arith.index_cast %rem3A_78 : i32 to index
        %parallel_loop3A_382 = arith.index_cast %parallel_loop3A_120 : i32 to index
        %parallel_loop3A_383 = arith.constant 112 : index
        %parallel_loop3A_384 = tpu.vector_load %arg10[%parallel_loop3A_381, %parallel_loop3A_382, %parallel_loop3A_383] {strides = array<i32>} : memref<2x64x200xf32, #tpu.memory_space<vmem>>, vector<16xf32>,
        tpu.vector_store %arg10[%parallel_loop3A_381, %parallel_loop3A_382, %parallel_loop3A_383], %parallel_loop3A_380 {strides = array<i32>} : memref<2x64x200xf32, #tpu.memory_space<vmem>>, vector<16xf32>,
        %parallel_loop3A_385 = arith.index_cast %rem3A_78 : i32 to index
        %parallel_loop3A_386 = arith.index_cast %parallel_loop3A_120 : i32 to index
        %parallel_loop3A_387 = arith.constant 128 : index
        %parallel_loop3A_388 = tpu.vector_load %arg9[%parallel_loop3A_385, %parallel_loop3A_386, %parallel_loop3A_387] {strides = array<i32>} : memref<2x64x200xf32, #tpu.memory_space<vmem>>, vector<16xf32>,
        %parallel_loop3A_389 = vector.broadcast %scan3A : f32 to vector<16xf32>
        %parallel_loop3A_390 = arith.mulf %parallel_loop3A_388, %parallel_loop3A_389 : vector<16xf32>
        %parallel_loop3A_391 = arith.fptosi %parallel_loop3A_390 : vector<16xf32> to vector<16xi32>
        %parallel_loop3A_392 = arith.constant 0 : i32
        %parallel_loop3A_393 = vector.broadcast %parallel_loop3A_392 : i32 to vector<16xi32>
        %parallel_loop3A_394 = arith.maxsi %parallel_loop3A_391, %parallel_loop3A_393 : vector<16xi32>
        %parallel_loop3A_395 = arith.constant 62 : i32
        %parallel_loop3A_396 = vector.broadcast %parallel_loop3A_395 : i32 to vector<16xi32>
        %parallel_loop3A_397 = arith.minsi %parallel_loop3A_394, %parallel_loop3A_396 : vector<16xi32>
        %parallel_loop3A_398 = arith.sitofp %parallel_loop3A_397 : vector<16xi32> to vector<16xf32>
        %parallel_loop3A_399 = arith.subf %parallel_loop3A_390, %parallel_loop3A_398 : vector<16xf32>
        %parallel_loop3A_400 = arith.constant 16 : i32
        %parallel_loop3A_401 = vector.broadcast %parallel_loop3A_400 : i32 to vector<16xi32>
        %parallel_loop3A_402 = arith.muli %parallel_loop3A_397, %parallel_loop3A_401 : vector<16xi32>
        %parallel_loop3A_403 = arith.addi %parallel_loop3A_402, %iota3A : vector<16xi32>
        %parallel_loop3A_404 = tpu.vector_load_idx %arg5[%parallel_loop3A_403] : memref<1024xf32, #tpu.memory_space<vmem>>[vector<16xi32>], vector<16xf32>,
        %parallel_loop3A_405 = tpu.vector_load_idx %arg6[%parallel_loop3A_403] : memref<1024xf32, #tpu.memory_space<vmem>>[vector<16xi32>], vector<16xf32>,
        %parallel_loop3A_406 = tpu.vector_load_idx %arg7[%parallel_loop3A_403] : memref<1024xf32, #tpu.memory_space<vmem>>[vector<16xi32>], vector<16xf32>,
        %parallel_loop3A_407 = tpu.vector_load_idx %arg8[%parallel_loop3A_403] : memref<1024xf32, #tpu.memory_space<vmem>>[vector<16xi32>], vector<16xf32>,
        %parallel_loop3A_408 = arith.mulf %parallel_loop3A_407, %parallel_loop3A_399 : vector<16xf32>
        %parallel_loop3A_409 = arith.addf %parallel_loop3A_408, %parallel_loop3A_406 : vector<16xf32>
        %parallel_loop3A_410 = arith.mulf %parallel_loop3A_409, %parallel_loop3A_399 : vector<16xf32>
        %parallel_loop3A_411 = arith.addf %parallel_loop3A_410, %parallel_loop3A_405 : vector<16xf32>
        %parallel_loop3A_412 = arith.mulf %parallel_loop3A_411, %parallel_loop3A_399 : vector<16xf32>
        %parallel_loop3A_413 = arith.addf %parallel_loop3A_412, %parallel_loop3A_404 : vector<16xf32>
        %parallel_loop3A_414 = arith.index_cast %rem3A_78 : i32 to index
        %parallel_loop3A_415 = arith.index_cast %parallel_loop3A_120 : i32 to index
        %parallel_loop3A_416 = arith.constant 128 : index
        %parallel_loop3A_417 = tpu.vector_load %arg10[%parallel_loop3A_414, %parallel_loop3A_415, %parallel_loop3A_416] {strides = array<i32>} : memref<2x64x200xf32, #tpu.memory_space<vmem>>, vector<16xf32>,
        tpu.vector_store %arg10[%parallel_loop3A_414, %parallel_loop3A_415, %parallel_loop3A_416], %parallel_loop3A_413 {strides = array<i32>} : memref<2x64x200xf32, #tpu.memory_space<vmem>>, vector<16xf32>,
        %parallel_loop3A_418 = arith.index_cast %rem3A_78 : i32 to index
        %parallel_loop3A_419 = arith.index_cast %parallel_loop3A_120 : i32 to index
        %parallel_loop3A_420 = arith.constant 144 : index
        %parallel_loop3A_421 = tpu.vector_load %arg9[%parallel_loop3A_418, %parallel_loop3A_419, %parallel_loop3A_420] {strides = array<i32>} : memref<2x64x200xf32, #tpu.memory_space<vmem>>, vector<16xf32>,
        %parallel_loop3A_422 = vector.broadcast %scan3A : f32 to vector<16xf32>
        %parallel_loop3A_423 = arith.mulf %parallel_loop3A_421, %parallel_loop3A_422 : vector<16xf32>
        %parallel_loop3A_424 = arith.fptosi %parallel_loop3A_423 : vector<16xf32> to vector<16xi32>
        %parallel_loop3A_425 = arith.constant 0 : i32
        %parallel_loop3A_426 = vector.broadcast %parallel_loop3A_425 : i32 to vector<16xi32>
        %parallel_loop3A_427 = arith.maxsi %parallel_loop3A_424, %parallel_loop3A_426 : vector<16xi32>
        %parallel_loop3A_428 = arith.constant 62 : i32
        %parallel_loop3A_429 = vector.broadcast %parallel_loop3A_428 : i32 to vector<16xi32>
        %parallel_loop3A_430 = arith.minsi %parallel_loop3A_427, %parallel_loop3A_429 : vector<16xi32>
        %parallel_loop3A_431 = arith.sitofp %parallel_loop3A_430 : vector<16xi32> to vector<16xf32>
        %parallel_loop3A_432 = arith.subf %parallel_loop3A_423, %parallel_loop3A_431 : vector<16xf32>
        %parallel_loop3A_433 = arith.constant 16 : i32
        %parallel_loop3A_434 = vector.broadcast %parallel_loop3A_433 : i32 to vector<16xi32>
        %parallel_loop3A_435 = arith.muli %parallel_loop3A_430, %parallel_loop3A_434 : vector<16xi32>
        %parallel_loop3A_436 = arith.addi %parallel_loop3A_435, %iota3A : vector<16xi32>
        %parallel_loop3A_437 = tpu.vector_load_idx %arg5[%parallel_loop3A_436] : memref<1024xf32, #tpu.memory_space<vmem>>[vector<16xi32>], vector<16xf32>,
        %parallel_loop3A_438 = tpu.vector_load_idx %arg6[%parallel_loop3A_436] : memref<1024xf32, #tpu.memory_space<vmem>>[vector<16xi32>], vector<16xf32>,
        %parallel_loop3A_439 = tpu.vector_load_idx %arg7[%parallel_loop3A_436] : memref<1024xf32, #tpu.memory_space<vmem>>[vector<16xi32>], vector<16xf32>,
        %parallel_loop3A_440 = tpu.vector_load_idx %arg8[%parallel_loop3A_436] : memref<1024xf32, #tpu.memory_space<vmem>>[vector<16xi32>], vector<16xf32>,
        %parallel_loop3A_441 = arith.mulf %parallel_loop3A_440, %parallel_loop3A_432 : vector<16xf32>
        %parallel_loop3A_442 = arith.addf %parallel_loop3A_441, %parallel_loop3A_439 : vector<16xf32>
        %parallel_loop3A_443 = arith.mulf %parallel_loop3A_442, %parallel_loop3A_432 : vector<16xf32>
        %parallel_loop3A_444 = arith.addf %parallel_loop3A_443, %parallel_loop3A_438 : vector<16xf32>
        %parallel_loop3A_445 = arith.mulf %parallel_loop3A_444, %parallel_loop3A_432 : vector<16xf32>
        %parallel_loop3A_446 = arith.addf %parallel_loop3A_445, %parallel_loop3A_437 : vector<16xf32>
        %parallel_loop3A_447 = arith.index_cast %rem3A_78 : i32 to index
        %parallel_loop3A_448 = arith.index_cast %parallel_loop3A_120 : i32 to index
        %parallel_loop3A_449 = arith.constant 144 : index
        %parallel_loop3A_450 = tpu.vector_load %arg10[%parallel_loop3A_447, %parallel_loop3A_448, %parallel_loop3A_449] {strides = array<i32>} : memref<2x64x200xf32, #tpu.memory_space<vmem>>, vector<16xf32>,
        tpu.vector_store %arg10[%parallel_loop3A_447, %parallel_loop3A_448, %parallel_loop3A_449], %parallel_loop3A_446 {strides = array<i32>} : memref<2x64x200xf32, #tpu.memory_space<vmem>>, vector<16xf32>,
        %parallel_loop3A_451 = arith.index_cast %rem3A_78 : i32 to index
        %parallel_loop3A_452 = arith.index_cast %parallel_loop3A_120 : i32 to index
        %parallel_loop3A_453 = arith.constant 160 : index
        %parallel_loop3A_454 = tpu.vector_load %arg9[%parallel_loop3A_451, %parallel_loop3A_452, %parallel_loop3A_453] {strides = array<i32>} : memref<2x64x200xf32, #tpu.memory_space<vmem>>, vector<16xf32>,
        %parallel_loop3A_455 = vector.broadcast %scan3A : f32 to vector<16xf32>
        %parallel_loop3A_456 = arith.mulf %parallel_loop3A_454, %parallel_loop3A_455 : vector<16xf32>
        %parallel_loop3A_457 = arith.fptosi %parallel_loop3A_456 : vector<16xf32> to vector<16xi32>
        %parallel_loop3A_458 = arith.constant 0 : i32
        %parallel_loop3A_459 = vector.broadcast %parallel_loop3A_458 : i32 to vector<16xi32>
        %parallel_loop3A_460 = arith.maxsi %parallel_loop3A_457, %parallel_loop3A_459 : vector<16xi32>
        %parallel_loop3A_461 = arith.constant 62 : i32
        %parallel_loop3A_462 = vector.broadcast %parallel_loop3A_461 : i32 to vector<16xi32>
        %parallel_loop3A_463 = arith.minsi %parallel_loop3A_460, %parallel_loop3A_462 : vector<16xi32>
        %parallel_loop3A_464 = arith.sitofp %parallel_loop3A_463 : vector<16xi32> to vector<16xf32>
        %parallel_loop3A_465 = arith.subf %parallel_loop3A_456, %parallel_loop3A_464 : vector<16xf32>
        %parallel_loop3A_466 = arith.constant 16 : i32
        %parallel_loop3A_467 = vector.broadcast %parallel_loop3A_466 : i32 to vector<16xi32>
        %parallel_loop3A_468 = arith.muli %parallel_loop3A_463, %parallel_loop3A_467 : vector<16xi32>
        %parallel_loop3A_469 = arith.addi %parallel_loop3A_468, %iota3A : vector<16xi32>
        %parallel_loop3A_470 = tpu.vector_load_idx %arg5[%parallel_loop3A_469] : memref<1024xf32, #tpu.memory_space<vmem>>[vector<16xi32>], vector<16xf32>,
        %parallel_loop3A_471 = tpu.vector_load_idx %arg6[%parallel_loop3A_469] : memref<1024xf32, #tpu.memory_space<vmem>>[vector<16xi32>], vector<16xf32>,
        %parallel_loop3A_472 = tpu.vector_load_idx %arg7[%parallel_loop3A_469] : memref<1024xf32, #tpu.memory_space<vmem>>[vector<16xi32>], vector<16xf32>,
        %parallel_loop3A_473 = tpu.vector_load_idx %arg8[%parallel_loop3A_469] : memref<1024xf32, #tpu.memory_space<vmem>>[vector<16xi32>], vector<16xf32>,
        %parallel_loop3A_474 = arith.mulf %parallel_loop3A_473, %parallel_loop3A_465 : vector<16xf32>
        %parallel_loop3A_475 = arith.addf %parallel_loop3A_474, %parallel_loop3A_472 : vector<16xf32>
        %parallel_loop3A_476 = arith.mulf %parallel_loop3A_475, %parallel_loop3A_465 : vector<16xf32>
        %parallel_loop3A_477 = arith.addf %parallel_loop3A_476, %parallel_loop3A_471 : vector<16xf32>
        %parallel_loop3A_478 = arith.mulf %parallel_loop3A_477, %parallel_loop3A_465 : vector<16xf32>
        %parallel_loop3A_479 = arith.addf %parallel_loop3A_478, %parallel_loop3A_470 : vector<16xf32>
        %parallel_loop3A_480 = arith.index_cast %rem3A_78 : i32 to index
        %parallel_loop3A_481 = arith.index_cast %parallel_loop3A_120 : i32 to index
        %parallel_loop3A_482 = arith.constant 160 : index
        %parallel_loop3A_483 = tpu.vector_load %arg10[%parallel_loop3A_480, %parallel_loop3A_481, %parallel_loop3A_482] {strides = array<i32>} : memref<2x64x200xf32, #tpu.memory_space<vmem>>, vector<16xf32>,
        tpu.vector_store %arg10[%parallel_loop3A_480, %parallel_loop3A_481, %parallel_loop3A_482], %parallel_loop3A_479 {strides = array<i32>} : memref<2x64x200xf32, #tpu.memory_space<vmem>>, vector<16xf32>,
        %parallel_loop3A_484 = arith.index_cast %rem3A_78 : i32 to index
        %parallel_loop3A_485 = arith.index_cast %parallel_loop3A_120 : i32 to index
        %parallel_loop3A_486 = arith.constant 176 : index
        %parallel_loop3A_487 = tpu.vector_load %arg9[%parallel_loop3A_484, %parallel_loop3A_485, %parallel_loop3A_486] {strides = array<i32>} : memref<2x64x200xf32, #tpu.memory_space<vmem>>, vector<16xf32>,
        %parallel_loop3A_488 = vector.broadcast %scan3A : f32 to vector<16xf32>
        %parallel_loop3A_489 = arith.mulf %parallel_loop3A_487, %parallel_loop3A_488 : vector<16xf32>
        %parallel_loop3A_490 = arith.fptosi %parallel_loop3A_489 : vector<16xf32> to vector<16xi32>
        %parallel_loop3A_491 = arith.constant 0 : i32
        %parallel_loop3A_492 = vector.broadcast %parallel_loop3A_491 : i32 to vector<16xi32>
        %parallel_loop3A_493 = arith.maxsi %parallel_loop3A_490, %parallel_loop3A_492 : vector<16xi32>
        %parallel_loop3A_494 = arith.constant 62 : i32
        %parallel_loop3A_495 = vector.broadcast %parallel_loop3A_494 : i32 to vector<16xi32>
        %parallel_loop3A_496 = arith.minsi %parallel_loop3A_493, %parallel_loop3A_495 : vector<16xi32>
        %parallel_loop3A_497 = arith.sitofp %parallel_loop3A_496 : vector<16xi32> to vector<16xf32>
        %parallel_loop3A_498 = arith.subf %parallel_loop3A_489, %parallel_loop3A_497 : vector<16xf32>
        %parallel_loop3A_499 = arith.constant 16 : i32
        %parallel_loop3A_500 = vector.broadcast %parallel_loop3A_499 : i32 to vector<16xi32>
        %parallel_loop3A_501 = arith.muli %parallel_loop3A_496, %parallel_loop3A_500 : vector<16xi32>
        %parallel_loop3A_502 = arith.addi %parallel_loop3A_501, %iota3A : vector<16xi32>
        %parallel_loop3A_503 = tpu.vector_load_idx %arg5[%parallel_loop3A_502] : memref<1024xf32, #tpu.memory_space<vmem>>[vector<16xi32>], vector<16xf32>,
        %parallel_loop3A_504 = tpu.vector_load_idx %arg6[%parallel_loop3A_502] : memref<1024xf32, #tpu.memory_space<vmem>>[vector<16xi32>], vector<16xf32>,
        %parallel_loop3A_505 = tpu.vector_load_idx %arg7[%parallel_loop3A_502] : memref<1024xf32, #tpu.memory_space<vmem>>[vector<16xi32>], vector<16xf32>,
        %parallel_loop3A_506 = tpu.vector_load_idx %arg8[%parallel_loop3A_502] : memref<1024xf32, #tpu.memory_space<vmem>>[vector<16xi32>], vector<16xf32>,
        %parallel_loop3A_507 = arith.mulf %parallel_loop3A_506, %parallel_loop3A_498 : vector<16xf32>
        %parallel_loop3A_508 = arith.addf %parallel_loop3A_507, %parallel_loop3A_505 : vector<16xf32>
        %parallel_loop3A_509 = arith.mulf %parallel_loop3A_508, %parallel_loop3A_498 : vector<16xf32>
        %parallel_loop3A_510 = arith.addf %parallel_loop3A_509, %parallel_loop3A_504 : vector<16xf32>
        %parallel_loop3A_511 = arith.mulf %parallel_loop3A_510, %parallel_loop3A_498 : vector<16xf32>
        %parallel_loop3A_512 = arith.addf %parallel_loop3A_511, %parallel_loop3A_503 : vector<16xf32>
        %parallel_loop3A_513 = arith.index_cast %rem3A_78 : i32 to index
        %parallel_loop3A_514 = arith.index_cast %parallel_loop3A_120 : i32 to index
        %parallel_loop3A_515 = arith.constant 176 : index
        %parallel_loop3A_516 = tpu.vector_load %arg10[%parallel_loop3A_513, %parallel_loop3A_514, %parallel_loop3A_515] {strides = array<i32>} : memref<2x64x200xf32, #tpu.memory_space<vmem>>, vector<16xf32>,
        tpu.vector_store %arg10[%parallel_loop3A_513, %parallel_loop3A_514, %parallel_loop3A_515], %parallel_loop3A_512 {strides = array<i32>} : memref<2x64x200xf32, #tpu.memory_space<vmem>>, vector<16xf32>,
        %parallel_loop3A_517 = arith.index_cast %rem3A_78 : i32 to index
        %parallel_loop3A_518 = arith.index_cast %parallel_loop3A_120 : i32 to index
        %parallel_loop3A_519 = arith.constant 184 : index
        %parallel_loop3A_520 = tpu.vector_load %arg9[%parallel_loop3A_517, %parallel_loop3A_518, %parallel_loop3A_519] {strides = array<i32>} : memref<2x64x200xf32, #tpu.memory_space<vmem>>, vector<16xf32>,
        %parallel_loop3A_521 = vector.broadcast %scan3A : f32 to vector<16xf32>
        %parallel_loop3A_522 = arith.mulf %parallel_loop3A_520, %parallel_loop3A_521 : vector<16xf32>
        %parallel_loop3A_523 = arith.fptosi %parallel_loop3A_522 : vector<16xf32> to vector<16xi32>
        %parallel_loop3A_524 = arith.constant 0 : i32
        %parallel_loop3A_525 = vector.broadcast %parallel_loop3A_524 : i32 to vector<16xi32>
        %parallel_loop3A_526 = arith.maxsi %parallel_loop3A_523, %parallel_loop3A_525 : vector<16xi32>
        %parallel_loop3A_527 = arith.constant 62 : i32
        %parallel_loop3A_528 = vector.broadcast %parallel_loop3A_527 : i32 to vector<16xi32>
        %parallel_loop3A_529 = arith.minsi %parallel_loop3A_526, %parallel_loop3A_528 : vector<16xi32>
        %parallel_loop3A_530 = arith.sitofp %parallel_loop3A_529 : vector<16xi32> to vector<16xf32>
        %parallel_loop3A_531 = arith.subf %parallel_loop3A_522, %parallel_loop3A_530 : vector<16xf32>
        %parallel_loop3A_532 = arith.constant 16 : i32
        %parallel_loop3A_533 = vector.broadcast %parallel_loop3A_532 : i32 to vector<16xi32>
        %parallel_loop3A_534 = arith.muli %parallel_loop3A_529, %parallel_loop3A_533 : vector<16xi32>
        %parallel_loop3A_535 = arith.addi %parallel_loop3A_534, %iota3A : vector<16xi32>
        %parallel_loop3A_536 = tpu.vector_load_idx %arg5[%parallel_loop3A_535] : memref<1024xf32, #tpu.memory_space<vmem>>[vector<16xi32>], vector<16xf32>,
        %parallel_loop3A_537 = tpu.vector_load_idx %arg6[%parallel_loop3A_535] : memref<1024xf32, #tpu.memory_space<vmem>>[vector<16xi32>], vector<16xf32>,
        %parallel_loop3A_538 = tpu.vector_load_idx %arg7[%parallel_loop3A_535] : memref<1024xf32, #tpu.memory_space<vmem>>[vector<16xi32>], vector<16xf32>,
        %parallel_loop3A_539 = tpu.vector_load_idx %arg8[%parallel_loop3A_535] : memref<1024xf32, #tpu.memory_space<vmem>>[vector<16xi32>], vector<16xf32>,
        %parallel_loop3A_540 = arith.mulf %parallel_loop3A_539, %parallel_loop3A_531 : vector<16xf32>
        %parallel_loop3A_541 = arith.addf %parallel_loop3A_540, %parallel_loop3A_538 : vector<16xf32>
        %parallel_loop3A_542 = arith.mulf %parallel_loop3A_541, %parallel_loop3A_531 : vector<16xf32>
        %parallel_loop3A_543 = arith.addf %parallel_loop3A_542, %parallel_loop3A_537 : vector<16xf32>
        %parallel_loop3A_544 = arith.mulf %parallel_loop3A_543, %parallel_loop3A_531 : vector<16xf32>
        %parallel_loop3A_545 = arith.addf %parallel_loop3A_544, %parallel_loop3A_536 : vector<16xf32>
        %parallel_loop3A_546 = arith.index_cast %rem3A_78 : i32 to index
        %parallel_loop3A_547 = arith.index_cast %parallel_loop3A_120 : i32 to index
        %parallel_loop3A_548 = arith.constant 184 : index
        %parallel_loop3A_549 = tpu.vector_load %arg10[%parallel_loop3A_546, %parallel_loop3A_547, %parallel_loop3A_548] {strides = array<i32>} : memref<2x64x200xf32, #tpu.memory_space<vmem>>, vector<16xf32>,
        tpu.vector_store %arg10[%parallel_loop3A_546, %parallel_loop3A_547, %parallel_loop3A_548], %parallel_loop3A_545 {strides = array<i32>} : memref<2x64x200xf32, #tpu.memory_space<vmem>>, vector<16xf32>,
      } {sc.loop_unroll_factor = 1 : i64, sc.parallel_access}
      %mul3A_97 = arith.constant 64 : i32
      %mul3A_98 = arith.muli %scan3A_77, %mul3A_97 : i32
      %add3A_99 = arith.addi %mul3A_2, %mul3A_98 : i32
      %dma_start3A_100 = arith.constant 0 : i32
      %dma_start3A_101 = arith.constant 0 : i32
      %dma_start3A_102 = tpu.memref_slice %arg10[%rem3A_78, %dma_start3A_100, %dma_start3A_101] : memref<2x64x200xf32, #tpu.memory_space<vmem>> -> memref<1x64x200xf32, #tpu.memory_space<vmem>>
      %dma_start3A_103 = tpu.memref_squeeze %dma_start3A_102 : memref<1x64x200xf32, #tpu.memory_space<vmem>> -> memref<64x200xf32, #tpu.memory_space<vmem>>
      %dma_start3A_104 = arith.constant 0 : i32
      %dma_start3A_105 = tpu.memref_slice %arg4[%add3A_99, %dma_start3A_104] : memref<16384x200xf32, #tpu.memory_space<hbm>> -> memref<64x200xf32, #tpu.memory_space<hbm>>
      %dma_start3A_106 = tpu.memref_slice %arg12[%rem3A_78] : memref<2x!tpu.dma_semaphore, #tpu.memory_space<semaphore_mem>> -> memref<1x!tpu.dma_semaphore, #tpu.memory_space<semaphore_mem>>
      %dma_start3A_107 = tpu.memref_squeeze %dma_start3A_106 : memref<1x!tpu.dma_semaphore, #tpu.memory_space<semaphore_mem>> -> memref<!tpu.dma_semaphore, #tpu.memory_space<semaphore_mem>>
      %dma_start3A_108 = arith.constant 0 : i32
      %dma_start3A_109 = tpu.memref_slice %arg4[%add3A_99, %dma_start3A_108] : memref<16384x200xf32, #tpu.memory_space<hbm>> -> memref<64x200xf32, #tpu.memory_space<hbm>>
      %dma_start3A_110 = arith.constant 0 : i32
      %dma_start3A_111 = arith.constant 0 : i32
      %dma_start3A_112 = tpu.memref_slice %arg10[%rem3A_78, %dma_start3A_110, %dma_start3A_111] : memref<2x64x200xf32, #tpu.memory_space<vmem>> -> memref<1x64x200xf32, #tpu.memory_space<vmem>>
      %dma_start3A_113 = tpu.memref_squeeze %dma_start3A_112 : memref<1x64x200xf32, #tpu.memory_space<vmem>> -> memref<64x200xf32, #tpu.memory_space<vmem>>
      tpu.enqueue_dma source(%dma_start3A_113 : memref<64x200xf32, #tpu.memory_space<vmem>>) target(%dma_start3A_109 : memref<64x200xf32, #tpu.memory_space<hbm>>) target_semaphore(%dma_start3A_107 : memref<!tpu.dma_semaphore, #tpu.memory_space<semaphore_mem>>)
      %add3A_114 = arith.constant 2 : i32
      %add3A_115 = arith.addi %scan3A_77, %add3A_114 : i32
      %lt3A = arith.constant 8 : i32
      %lt3A_116 = arith.cmpi slt, %add3A_115, %lt3A : i32
      %convert_element_type3A_117 = arith.extui %lt3A_116 : i1 to i32
      %cond3A_118 = arith.constant 0 : i32
      %cond3A_119 = arith.cmpi ne, %convert_element_type3A_117, %cond3A_118 : i32
      scf.if %cond3A_119 {
        %add3A_120 = arith.constant 2 : i32
        %add3A_121 = arith.addi %scan3A_77, %add3A_120 : i32
        %mul3A_122 = arith.constant 64 : i32
        %mul3A_123 = arith.muli %add3A_121, %mul3A_122 : i32
        %add3A_124 = arith.addi %mul3A_2, %mul3A_123 : i32
        %dma_start3A_125 = arith.constant 0 : i32
        %dma_start3A_126 = arith.constant 0 : i32
        %dma_start3A_127 = tpu.memref_slice %arg9[%rem3A_78, %dma_start3A_125, %dma_start3A_126] : memref<2x64x200xf32, #tpu.memory_space<vmem>> -> memref<1x64x200xf32, #tpu.memory_space<vmem>>
        %dma_start3A_128 = tpu.memref_squeeze %dma_start3A_127 : memref<1x64x200xf32, #tpu.memory_space<vmem>> -> memref<64x200xf32, #tpu.memory_space<vmem>>
        %dma_start3A_129 = arith.constant 0 : i32
        %dma_start3A_130 = tpu.memref_slice %arg3[%add3A_124, %dma_start3A_129] : memref<16384x200xf32, #tpu.memory_space<hbm>> -> memref<64x200xf32, #tpu.memory_space<hbm>>
        %dma_start3A_131 = tpu.memref_slice %arg11[%rem3A_78] : memref<2x!tpu.dma_semaphore, #tpu.memory_space<semaphore_mem>> -> memref<1x!tpu.dma_semaphore, #tpu.memory_space<semaphore_mem>>
        %dma_start3A_132 = tpu.memref_squeeze %dma_start3A_131 : memref<1x!tpu.dma_semaphore, #tpu.memory_space<semaphore_mem>> -> memref<!tpu.dma_semaphore, #tpu.memory_space<semaphore_mem>>
        %dma_start3A_133 = arith.constant 0 : i32
        %dma_start3A_134 = arith.constant 0 : i32
        %dma_start3A_135 = tpu.memref_slice %arg9[%rem3A_78, %dma_start3A_133, %dma_start3A_134] : memref<2x64x200xf32, #tpu.memory_space<vmem>> -> memref<1x64x200xf32, #tpu.memory_space<vmem>>
        %dma_start3A_136 = tpu.memref_squeeze %dma_start3A_135 : memref<1x64x200xf32, #tpu.memory_space<vmem>> -> memref<64x200xf32, #tpu.memory_space<vmem>>
        %dma_start3A_137 = arith.constant 0 : i32
        %dma_start3A_138 = tpu.memref_slice %arg3[%add3A_124, %dma_start3A_137] : memref<16384x200xf32, #tpu.memory_space<hbm>> -> memref<64x200xf32, #tpu.memory_space<hbm>>
        tpu.enqueue_dma source(%dma_start3A_138 : memref<64x200xf32, #tpu.memory_space<hbm>>) target(%dma_start3A_136 : memref<64x200xf32, #tpu.memory_space<vmem>>) target_semaphore(%dma_start3A_132 : memref<!tpu.dma_semaphore, #tpu.memory_space<semaphore_mem>>)
      } else {
      }
    }
    %scan3A_45 = arith.constant 8 : i32
    %dma_wait3A = arith.constant 0 : i32
    %dma_wait3A_46 = arith.constant 0 : i32
    %dma_wait3A_47 = arith.constant 0 : i32
    %dma_wait3A_48 = arith.constant 0 : i32
    %dma_wait3A_49 = tpu.memref_slice %arg10[%dma_wait3A, %dma_wait3A_47, %dma_wait3A_48] : memref<2x64x200xf32, #tpu.memory_space<vmem>> -> memref<1x64x200xf32, #tpu.memory_space<vmem>>
    %dma_wait3A_50 = tpu.memref_squeeze %dma_wait3A_49 : memref<1x64x200xf32, #tpu.memory_space<vmem>> -> memref<64x200xf32, #tpu.memory_space<vmem>>
    %dma_wait3A_51 = arith.constant 0 : i32
    %dma_wait3A_52 = tpu.memref_slice %arg4[%mul3A_2, %dma_wait3A_51] : memref<16384x200xf32, #tpu.memory_space<hbm>> -> memref<64x200xf32, #tpu.memory_space<hbm>>
    %dma_wait3A_53 = tpu.memref_slice %arg12[%dma_wait3A_46] : memref<2x!tpu.dma_semaphore, #tpu.memory_space<semaphore_mem>> -> memref<1x!tpu.dma_semaphore, #tpu.memory_space<semaphore_mem>>
    %dma_wait3A_54 = tpu.memref_squeeze %dma_wait3A_53 : memref<1x!tpu.dma_semaphore, #tpu.memory_space<semaphore_mem>> -> memref<!tpu.dma_semaphore, #tpu.memory_space<semaphore_mem>>
    %dma_wait3A_55 = arith.constant 0 : i32
    %dma_wait3A_56 = tpu.memref_slice %arg4[%mul3A_2, %dma_wait3A_55] : memref<16384x200xf32, #tpu.memory_space<hbm>> -> memref<64x200xf32, #tpu.memory_space<hbm>>
    %dma_wait3A_57 = arith.constant 0 : i32
    %dma_wait3A_58 = arith.constant 0 : i32
    %dma_wait3A_59 = tpu.memref_slice %arg10[%dma_wait3A, %dma_wait3A_57, %dma_wait3A_58] : memref<2x64x200xf32, #tpu.memory_space<vmem>> -> memref<1x64x200xf32, #tpu.memory_space<vmem>>
    %dma_wait3A_60 = tpu.memref_squeeze %dma_wait3A_59 : memref<1x64x200xf32, #tpu.memory_space<vmem>> -> memref<64x200xf32, #tpu.memory_space<vmem>>
    tpu.wait_dma2 semaphore(%dma_wait3A_54 : memref<!tpu.dma_semaphore, #tpu.memory_space<semaphore_mem>>) src(%dma_wait3A_60 : memref<64x200xf32, #tpu.memory_space<vmem>>) dst(%dma_wait3A_56 : memref<64x200xf32, #tpu.memory_space<hbm>>)
    %dma_wait3A_61 = arith.constant 1 : i32
    %dma_wait3A_62 = arith.constant 1 : i32
    %dma_wait3A_63 = arith.constant 0 : i32
    %dma_wait3A_64 = arith.constant 0 : i32
    %dma_wait3A_65 = tpu.memref_slice %arg10[%dma_wait3A_61, %dma_wait3A_63, %dma_wait3A_64] : memref<2x64x200xf32, #tpu.memory_space<vmem>> -> memref<1x64x200xf32, #tpu.memory_space<vmem>>
    %dma_wait3A_66 = tpu.memref_squeeze %dma_wait3A_65 : memref<1x64x200xf32, #tpu.memory_space<vmem>> -> memref<64x200xf32, #tpu.memory_space<vmem>>
    %dma_wait3A_67 = arith.constant 0 : i32
    %dma_wait3A_68 = tpu.memref_slice %arg4[%mul3A_2, %dma_wait3A_67] : memref<16384x200xf32, #tpu.memory_space<hbm>> -> memref<64x200xf32, #tpu.memory_space<hbm>>
    %dma_wait3A_69 = tpu.memref_slice %arg12[%dma_wait3A_62] : memref<2x!tpu.dma_semaphore, #tpu.memory_space<semaphore_mem>> -> memref<1x!tpu.dma_semaphore, #tpu.memory_space<semaphore_mem>>
    %dma_wait3A_70 = tpu.memref_squeeze %dma_wait3A_69 : memref<1x!tpu.dma_semaphore, #tpu.memory_space<semaphore_mem>> -> memref<!tpu.dma_semaphore, #tpu.memory_space<semaphore_mem>>
    %dma_wait3A_71 = arith.constant 0 : i32
    %dma_wait3A_72 = tpu.memref_slice %arg4[%mul3A_2, %dma_wait3A_71] : memref<16384x200xf32, #tpu.memory_space<hbm>> -> memref<64x200xf32, #tpu.memory_space<hbm>>
    %dma_wait3A_73 = arith.constant 0 : i32
    %dma_wait3A_74 = arith.constant 0 : i32
    %dma_wait3A_75 = tpu.memref_slice %arg10[%dma_wait3A_61, %dma_wait3A_73, %dma_wait3A_74] : memref<2x64x200xf32, #tpu.memory_space<vmem>> -> memref<1x64x200xf32, #tpu.memory_space<vmem>>
    %dma_wait3A_76 = tpu.memref_squeeze %dma_wait3A_75 : memref<1x64x200xf32, #tpu.memory_space<vmem>> -> memref<64x200xf32, #tpu.memory_space<vmem>>
    tpu.wait_dma2 semaphore(%dma_wait3A_70 : memref<!tpu.dma_semaphore, #tpu.memory_space<semaphore_mem>>) src(%dma_wait3A_76 : memref<64x200xf32, #tpu.memory_space<vmem>>) dst(%dma_wait3A_72 : memref<64x200xf32, #tpu.memory_space<hbm>>)
    return
  }
}

</mosaic_0001>

<sc_bundles>
// kernel: kernel.3.cloned.1.call-start
scs
__scs_entry_jumppad:
0x0: {  	(pc) =	sbr.rel $0x88, $3  }
0x1: {  	(tag) =	ssettag $0x0;
	lr =	simm.s32 $0x1  }
0x2: {  	[smem:$0x3F9F] =	sst lr;
	_ =	strace $0xD0000000  }
0x3: {  	_ = 	snop  }
0x4: {  	_ = 	snop  }
0x5: {  	_ = 	snop  }
0x6: {  	_ = 	snop  }
0x7: {  	_ = 	snop  }
__scs_overlays_trampoline_lowered:
0x8: {  	[smem:$0x3FAE] =	sst s0  }
0x9: {  	[smem:$0x3FAF] =	sst s1  }
0xa: {  	[smem:$0x3FB0] =	sst s2  }
0xb: {  	[smem:$0x3FB1] =	sst s3  }
0xc: {  	[smem:$0x3FB2] =	sst s4  }
0xd: {  	[smem:$0x3FB3] =	sst s5  }
0xe: {  	[smem:$0x3FB4] =	sst s6  }
0xf: {  	[smem:$0x3FB5] =	sst s7  }
0x10: {  	[smem:$0x3FB6] =	sst s8  }
0x11: {  	[smem:$0x3FB7] =	sst s9;
	s0 =	simm.s32 @!p0 $0x0  }
0x12: {  	s1 =	sld [smem:$0x3F9D];
	s0 =	simm.s32 @p0 $0x1  }
0x13: {  	[smem:$0x3FB8] =	sst s0;
	s0 =	simm.s32 @!p1 $0x0  }
0x14: {  	s2 =	sld [smem:$0x3F9C];
	s0 =	simm.s32 @p1 $0x1  }
0x15: {  	[smem:$0x3FB9] =	sst s0;
	s0 =	simm.s32 @!p2 $0x0  }
0x16: {  	s3 =	sld [smem:$0x3FDB];
	s0 =	simm.s32 @p2 $0x1  }
0x17: {  	s4 =	simm.s32 $0x1BF5;
	[smem:$0x3FBB] =	sst s0  }
0x18: {  	s0 =	sld [smem:$0x3F9E];
	_ =	swait.ge [sflag:s4], $0x0  }
0x19: {  	s7 =	sld [smem:$0x3F9F]  }
0x1a: {  	s8 =	sadd.s32 $0xFFFFE003, lr  }
0x1b: {  	s9 =	sadd.s32 $0xFFFFFEF7, lr;
	s5 =	simm.s32 $0xFFFFFFFF;
	p2 =	slt.u32 s8, $0xFFFFF086  }
0x1c: {  	p1 =	slt.u32 s9, $0xF7A;
	s5 =	simm.s32 @!p2 $0x0  }
0x1d: {  	s5 =	simm.s32 @p1 $0x1;
	p0 =	seq.s32 s7, s2  }
0x1e: {  	s7 =	smul.u32 @!p0 $0xF7A, s2;
	p2 =	seq.s32 @!p0 s5, $0x0  }
0x1f: {  	s9 =	smul.u32 $0xF7A, s1;
	s8 =	simm.s32 @!p0 $0x1BF5;
	p2 =	por !p2, p0  }
0x20: {  	[sflag:s8] =	ssyncset.s32 @!p0 $0xFFFFF086;
	s6 =	sadd.s32 @!p0 s3, s7;
	s7 =	simm.s32 @!p0 $0x108  }
0x21: {  	s3 =	sadd.s32 s3, s9;
	s6 =	sadd.s32 @!p0 $0x88, s6;
	s7 =	simm.s32 @p2 $0x1082  }
0x22: {  	[simem:s7], [sflag:s8] =	dma.local @!p0 [hbm:s6], $0xF7A  }
0x23: {  	s9 =	sor.u32 $0xD0000000, s2;
	s6 =	simm.s32 $0x108;
	_ =	swait.ge @!p0 [sflag:s8], $0x0  }
0x24: {  	s3 =	sadd.s32 $0x88, s3;
	s6 =	simm.s32 @!p1 $0x1082;
	[sflag:s4] =	ssyncset.s32 $0xFFFFF086  }
0x25: {  	[simem:s6], [sflag:s4] =	dma.local [hbm:s3], $0xF7A  }
0x26: {  	[smem:$0x3F9F] =	sst s1;
	(tag) =	ssettag s2;
	_ =	strace s9  }
0x27: {  	s1 =	sld [smem:$0x3FAF]  }
0x28: {  	s2 =	sld [smem:$0x3FB0]  }
0x29: {  	s4 =	sld [smem:$0x3FB2]  }
0x2a: {  	p0 =	seq.s32 s5, $0x0;
	s5 =	sld [smem:$0x3FB3]  }
0x2b: {  	s6 =	sld [smem:$0x3FB4]  }
0x2c: {  	s7 =	sld [smem:$0x3FB5]  }
0x2d: {  	s3 =	simm.s32 $0x108;
	s8 =	sld [smem:$0x3FB6]  }
0x2e: {  	s3 =	simm.s32 @!p0 $0x1082;
	s9 =	sld [smem:$0x3FB7]  }
0x2f: {  	lr =	sadd.s32 s0, s3;
	s0 =	sld [smem:$0x3FAE]  }
0x30: {  	s3 =	sld [smem:$0x3FB1]  }
0x31: {  	[smem:$0x3FBA] =	sst s10  }
0x32: {  	s10 =	sld [smem:$0x3FB8];
	_ =	sdelay $0x3  }
0x33: {  	p0 =	seq.s32 s10, $0x1;
	s10 =	sld [smem:$0x3FBA];
	_ =	sdelay $0x3  }
0x34: {  	[smem:$0x3FBA] =	sst s10  }
0x35: {  	s10 =	sld [smem:$0x3FB9];
	_ =	sdelay $0x3  }
0x36: {  	p1 =	seq.s32 s10, $0x1;
	s10 =	sld [smem:$0x3FBA];
	_ =	sdelay $0x3  }
0x37: {  	[smem:$0x3FBA] =	sst s10  }
0x38: {  	s10 =	sld [smem:$0x3FBB]  }
0x39: {  	_ = 	snop;
	(pc) =	sbr.ind lr, $3  }
0x3a: {  	_ = 	snop  }
0x3b: {  	_ = 	snop  }
0x3c: {  	p2 =	seq.s32 s10, $0x1;
	s10 =	sld [smem:$0x3FBA]  }
0x3d: {  	_ =	shalt  }
0x3e: {  	_ =	shalt  }
0x3f: {  	_ =	shalt  }
0x40: {  	_ =	shalt  }
0x41: {  	_ =	shalt  }
0x42: {  	_ =	shalt  }
0x43: {  	_ =	shalt  }
0x44: {  	_ =	shalt  }
0x45: {  	_ =	shalt  }
0x46: {  	_ =	shalt  }
0x47: {  	_ =	shalt  }
0x48: {  	_ =	shalt  }
0x49: {  	_ =	shalt  }
0x4a: {  	_ =	shalt  }
0x4b: {  	_ =	shalt  }
0x4c: {  	_ =	shalt  }
0x4d: {  	_ =	shalt  }
0x4e: {  	_ =	shalt  }
0x4f: {  	_ =	shalt  }
0x50: {  	_ =	shalt  }
0x51: {  	_ =	shalt  }
0x52: {  	_ =	shalt  }
0x53: {  	_ =	shalt  }
0x54: {  	_ =	shalt  }
0x55: {  	_ =	shalt  }
0x56: {  	_ =	shalt  }
0x57: {  	_ =	shalt  }
0x58: {  	_ =	shalt  }
0x59: {  	_ =	shalt  }
0x5a: {  	_ =	shalt  }
0x5b: {  	_ =	shalt  }
0x5c: {  	_ =	shalt  }
0x5d: {  	_ =	shalt  }
0x5e: {  	_ =	shalt  }
0x5f: {  	_ =	shalt  }
0x60: {  	_ =	shalt  }
0x61: {  	_ =	shalt  }
0x62: {  	_ =	shalt  }
0x63: {  	_ =	shalt  }
0x64: {  	_ =	shalt  }
0x65: {  	_ =	shalt  }
0x66: {  	_ =	shalt  }
0x67: {  	_ =	shalt  }
0x68: {  	_ =	shalt  }
0x69: {  	_ =	shalt  }
0x6a: {  	_ =	shalt  }
0x6b: {  	_ =	shalt  }
0x6c: {  	_ =	shalt  }
0x6d: {  	_ =	shalt  }
0x6e: {  	_ =	shalt  }
0x6f: {  	_ =	shalt  }
0x70: {  	_ =	shalt  }
0x71: {  	_ =	shalt  }
0x72: {  	_ =	shalt  }
0x73: {  	_ =	shalt  }
0x74: {  	_ =	shalt  }
0x75: {  	_ =	shalt  }
0x76: {  	_ =	shalt  }
0x77: {  	_ =	shalt  }
0x78: {  	_ =	shalt  }
0x79: {  	_ =	shalt  }
0x7a: {  	_ =	shalt  }
0x7b: {  	_ =	shalt  }
0x7c: {  	_ =	shalt  }
0x7d: {  	_ =	shalt  }
0x7e: {  	_ =	shalt  }
0x7f: {  	_ =	shalt  }
0x80: {  	_ =	shalt  }
0x81: {  	_ =	shalt  }
0x82: {  	_ =	shalt  }
0x83: {  	_ =	shalt  }
0x84: {  	_ =	shalt  }
0x85: {  	_ =	shalt  }
0x86: {  	_ =	shalt  }
0x87: {  	_ =	shalt  }
.Lfunc_end0:
.L_simem_size_0:
called_computation_lowered:
.L_overlay_start_0:
0x88: {  	s2 =	sld [smem:$0x3FD9]  }
0x89: {  	s3 =	sld [smem:$0x3FFE];
	_ =	sdelay $0x1  }
0x8a: {  	s1 =	srdreg.scid  }
0x8b: {  	s0 =	sand.u32 $0x1, s1  }
0x8c: {  	s17 =	sshll.u32 s0, $0xA;
	s2 =	sadd.s32 s3, s2  }
0x8d: {  	s2 =	sadd.s32 s2, s17  }
0x8e: {  	[smem:$0x3FC6] =	sst s2  }
0x8f: {  	_ = 	snop  }
0x90: {  	s2 =	sld [smem:$0x3FD0];
	(tm) =	ssettm $0x1  }
0x91: {  	s18 =	sld [smem:$0x3FFB];
	_ =	sdelay $0x3  }
0x92: {  	_ =	strace s18  }
0x93: {  	s3 =	sld [smem:$0x3FFC];
	_ =	sdelay $0x3  }
0x94: {  	_ =	strace s3  }
0x95: {  	s3 =	sld [smem:$0x3FFD];
	_ =	sdelay $0x3  }
0x96: {  	_ =	strace s3  }
0x97: {  	_ =	strace $0x8FFFFFFF  }
0x98: {  	s19 =	sld [smem:$0x3FDB];
	_ =	sdelay $0x1  }
0x99: {  	s4 =	simm.s32 $_scs_section_size  }
0x9a: {  	s5 =	simm.s32 $_size__tile_overlayer_lowered;
	s6 =	simm.s32 $_tile_overlayer_lowered  }
0x9b: {  	s22 =	simm.s32 $0x1BFF;
	s21 =	sshll.u32 s6, $0x1;
	s3 =	sadd.s32 s4, s19  }
0x9c: {  	s7 =	simm.s32 $0x0;
	s20 =	sshll.u32 s5, $0x1;
	s5 =	sadd.s32 s21, s3  }
0x9d: {  	[timem:s7], [sflag:s22] =	dma.local [hbm:s5], s20  }
0x9e: {  	_ =	swait.ge [sflag:s22], s20  }
0x9f: {  	s4 =	ssub.s32 $0x0, s20;
	[sflag:s22] =	ssyncset.done $0x0  }
0xa0: {  	[sflag:s22] =	ssyncadd.s32 s4;
	_ =	sdelay $0x1  }
0xa1: {  	s23 =	simm.s32 $0x1B8B  }
0xa2: {  	_ =	swait.ge [sflag:s23], $0x1  }
0xa3: {  	[sflag:s23] =	ssyncset.done $0x0  }
0xa4: {  	s25 =	simm.s32 $0x1B8E;
	s24 =	sld [smem:$0x3FFE];
	[sflag:s23] =	ssyncadd.s32 $0xFFFFFFFF  }
0xa5: {  	s26 =	simm.s32 $execute0_lowered;
	[smem:$0x3FD2] =	sst s25  }
0xa6: {  	s5 =	sshll.u32 s26, $0x1;
	_ =	strace $0x80000046;
	[dreg:$0x1] =	wrdreg $0xFFFFFFFF  }
0xa7: {  	s28 =	simm.s32 $_size_execute0_lowered;
	s3 =	sadd.s32 s3, s5;
	[dreg:$0x0] =	wrdreg $0x0  }
0xa8: {  	s5 =	sshll.u32 s28, $0x1;
	[dreg:$0x2] =	wrdreg s3  }
0xa9: {  	[dreg:$0x3] =	wrdreg s5  }
0xaa: {  	[dreg:$0x4] =	wrdreg $0xC0  }
0xab: {  	_ =	task [dreg:s7], $0x5FFFF  }
0xac: {  	[dreg:$0x1] =	wrdreg $0xFFFFFFFF  }
0xad: {  	[dreg:$0x0] =	wrdreg $0x60  }
0xae: {  	[dreg:$0x2] =	wrdreg s2  }
0xaf: {  	[dreg:$0x3] =	wrdreg s24  }
0xb0: {  	[dreg:$0x4] =	wrdreg $0x9  }
0xb1: {  	_ =	task.clear_ibuf [dreg:s7], $0x5FFFF;
	_ =	strace $0x90000046  }
0xb2: {  	s29 =	simm.s32 $0x9;
	_ =	strace $0x80000048  }
0xb3: {  	_ =	swait.ge [sflag:s29], $0x1  }
0xb4: {  	[sflag:s29] =	ssyncadd.s32 $0xFFFFFFFF  }
0xb5: {  	_ =	strace $0x90000048  }
0xb6: {  	_ =	sfence  }
0xb7: {  	s30 =	sld [smem:$0x0];
	_ =	sdelay $0x2  }
0xb8: {  	s31 =	sshll.u32 s1, $0xD;
	s1 =	sshrl.u32 s1, $0x2  }
0xb9: {  	s3 =	sand.u32 $0x4000, s31;
	s1 =	sadd.s32 s1, s30  }
0xba: {  	s0 =	sor.u32 s3, s0;
	s1 =	sshll.u32 s1, $0x11  }
0xbb: {  	s0 =	sor.u32 s1, s0  }
0xbc: {  	s0 =	sadd.s32 $0x8F2B, s0  }
0xbd: {  	[sflag:s0] =	ssyncadd.remote.s32 $0x1  }
0xbe: {  	_ =	sfence.sel $0xFFFF  }
0xbf: {  	[dreg:$0x0] =	wrdreg $0xFFFFFFFF;
	(pc) =	sbr.abs _section_cstart, $3  }
0xc0: {  	[dreg:$0x1] =	wrdreg $0xFFFFFFFF  }
0xc1: {  	_ =	task.clear_ibuf [dreg:s7], $0x2FFFF;
	_ =	strace $0x9FFFFFFF  }
0xc2: {  	(tm) =	ssettm $0x7FFFFFFF  }
0xc3: {  	_ =	shalt  }
tec
execute0_lowered:
.L_overlay_start_1:
0x0: {  	(tag) =	ssettag $0x1  }
0x1: {  	s8 =	rddreg [dreg:$0x0];
	s0 =	srdreg.scid  }
0x2: {  	s1 =	rddreg [dreg:$0x1];
	s2 =	stileid.u32;
	s3 =	simm.s32 $0x0  }
0x3: {  	s14 =	simm.s32 $0x80;
	s15 =	simm.s32 $0x200;
	s16 =	simm.s32 $0x5  }
0x4: {  	s17 =	simm.s32 $0x400;
	s18 =	simm.s32 $0x800;
	s19 =	simm.s32 $0xC00  }
0x5: {  	s20 =	simm.s32 $0x3;
	s21 =	simm.s32 $0x4;
	s22 =	simm.s32 $0x0  }
0x6: {  	s0 =	sand.u32 $0x1, s0;
	s4 =	sshll.u32 s2, $0xF;
	[smem:$0x7FF] =	sst s3  }
0x7: {  	s6 =	sadd.s32 $0x10, s8;
	s7 =	sadd.s32 $0x20, s8;
	s5 =	sshll.u32 s0, $0xE  }
0x8: {  	s8 =	sadd.s32 $0x30, s8;
	s0 =	ssub.s32 $0x2, s0;
	s4 =	sor.u32 s5, s4  }
0x9: {  	_ =	strace $0x80000047;
	s31 =	sshrl.u32 s0, $0x1;
	s1 =	sadd.s32 s4, s1  }
0xa: {  	s0 =	ssub.s32 s0, s31;
	s4 =	sadd.s32 $0xA00, s1;
	s5 =	sadd.s32 $0x1200, s1  }
0xb: {  	v0 =	vlaneseq.u32;
	s9 =	sadd.s32 $0x80A00, s1;
	s10 =	sadd.s32 $0x1A00, s1;
	s11 =	smax.u32 s0, $0x1  }
.LBB2_1:
0xc: {  	s0 =	simm.s32 $0x1000  }
0xd: {  	[tilespmem:s0], [sflag:$0x1] =	stream.linear.gather [hbm4b:s4+s3], $0x4000, $0x38;
	[tilespmem:$0x11000] =	vst v63  }
0xe: {  	s30 =	simm.s32 $0x5000  }
0xf: {  	[tilespmem:s30], [sflag:$0x2] =	stream.linear.gather [hbm4b:s5+s3], $0x4000, $0x38;
	[tilespmem:$0x11000] =	vst v63  }
0x10: {  	s31 =	rddreg [dreg:$0x0]  }
0x11: {  	[tilespmem:s3], [sflag:$0x5] =	stream.strided.gather [hbm4b:s31+s14], $0x400, s15, s14, $0x38;
	[tilespmem:$0x11000] =	vst v63  }
0x12: {  	_ =	swait.ge [sflag:s16], $0x400  }
0x13: {  	[sflag:s16] =	ssyncset.done $0x0  }
0x14: {  	[sflag:s16] =	ssyncadd.s32 $0xFFFFFC00  }
0x15: {  	[tilespmem:s17], [sflag:$0x5] =	stream.strided.gather [hbm4b:s6+s14], $0x400, s15, s14, $0x38;
	[tilespmem:$0x11000] =	vst v63  }
0x16: {  	_ =	swait.ge [sflag:s16], $0x400  }
0x17: {  	[sflag:s16] =	ssyncset.done $0x0  }
0x18: {  	[sflag:s16] =	ssyncadd.s32 $0xFFFFFC00  }
0x19: {  	[tilespmem:s18], [sflag:$0x5] =	stream.strided.gather [hbm4b:s7+s14], $0x400, s15, s14, $0x38;
	[tilespmem:$0x11000] =	vst v63  }
0x1a: {  	_ =	swait.ge [sflag:s16], $0x400  }
0x1b: {  	[sflag:s16] =	ssyncset.done $0x0  }
0x1c: {  	[sflag:s16] =	ssyncadd.s32 $0xFFFFFC00  }
0x1d: {  	[tilespmem:s19], [sflag:$0x5] =	stream.strided.gather [hbm4b:s8+s14], $0x400, s15, s14, $0x38;
	[tilespmem:$0x11000] =	vst v63  }
0x1e: {  	_ =	swait.ge [sflag:s16], $0x400  }
0x1f: {  	[sflag:s16] =	ssyncset.done $0x0  }
0x20: {  	s23 =	simm.s32 $0x0;
	[sflag:s16] =	ssyncadd.s32 $0xFFFFFC00  }
.LBB2_2:
0x21: {  	s25 =	sand.u32 $0x1, s23  }
0x22: {  	s24 =	sadd.s32 $0x1, s25  }
0x23: {  	_ =	swait.ge [sflag:s24], $0x4000  }
0x24: {  	p0 =	slt.u32 s23, $0x2;
	[sflag:s24] =	ssyncset.done $0x0  }
0x25: {  	s1 =	simm.s32 $0x0;
	s0 =	sadd.s32 @!p0 $0x3, s25;
	[sflag:s24] =	ssyncadd.s32 $0xFFFFC000  }
0x26: {  	s12 =	sand.u32 $0x3800, s1;
	s1 =	sand.u32 $0x380, s1;
	_ =	swait.ge @!p0 [sflag:s0], $0x4000  }
0x27: {  	s26 =	sshll.u32 s25, $0xE;
	s1 =	sor.u32 s12, s1;
	[sflag:s0] =	ssyncset.done @!p0 $0x0  }
0x28: {  	s28 =	sor.u32 s26, s1;
	[sflag:s0] =	ssyncadd.s32 @!p0 $0xFFFFC000  }
0x29: {  	v1 =	vld [tilespmem:s28+$0x1000];
	_ =	sdelay $0x4  }
0x2a: {  	v1 =	vmul.f32 $6.300000000e+01, v1;
	_ =	sdelay $0x1  }
0x2b: {  	v2 =	vtrunc.f32 v1  }
0x2c: {  	v2 =	vcvt.f32.s32 v2;
	_ =	sdelay $0x1  }
0x2d: {  	vm0 =	vgt.s32 v2, $0x0  }
0x2e: {  	v2 =	vnsel vm0, $0x0, v2  }
0x2f: {  	v2 =	vmin.u32 v2, $0x3E  }
0x30: {  	v3 =	vshll.u32 v2, $0x4  }
0x31: {  	v3 =	vor.u32 v0, v3;
	_ =	sdelay $0x3  }
0x32: {  	v4 =	vld [tilespmem:s28+$0x1010]  }
0x33: {  	v5 =	vld.idx.msk [tilespmem:v3+s19+$0x0], $0xffff  }
0x34: {  	v2 =	vcvt.s32.f32 v2  }
0x35: {  	v6 =	vld.idx.msk [tilespmem:v3+s18+$0x0], $0xffff  }
0x36: {  	v1 =	vsub.f32 v1, v2  }
0x37: {  	v2 =	vmul.f32 $6.300000000e+01, v4  }
0x38: {  	v4 =	vmul.f32 v1, v5  }
0x39: {  	v7 =	vld.idx.msk [tilespmem:v3+s17+$0x0], $0xffff;
	v5 =	vtrunc.f32 v2  }
0x3a: {  	v5 =	vcvt.f32.s32 v5;
	v4 =	vadd.f32 v4, v6;
	_ =	sdelay $0x1  }
0x3b: {  	vm0 =	vgt.s32 v5, $0x0;
	v4 =	vmul.f32 v4, v1  }
0x3c: {  	v3 =	vld.idx.msk [tilespmem:v3+s3+$0x0], $0xffff;
	v5 =	vnsel vm0, $0x0, v5  }
0x3d: {  	v5 =	vmin.u32 v5, $0x3E;
	v4 =	vadd.f32 v4, v7  }
0x3e: {  	v6 =	vshll.u32 v5, $0x4  }
0x3f: {  	v1 =	vmul.f32 v4, v1;
	v4 =	vor.u32 v0, v6;
	_ =	sdelay $0x1  }
0x40: {  	v1 =	vadd.f32 v1, v3;
	_ =	sdelay $0x1  }
0x41: {  	v3 =	vld [tilespmem:s28+$0x1020];
	[tilespmem:s28+$0x9000] =	vst v1  }
0x42: {  	v1 =	vld.idx.msk [tilespmem:v4+s19+$0x0], $0xffff  }
0x43: {  	v5 =	vcvt.s32.f32 v5  }
0x44: {  	v6 =	vld.idx.msk [tilespmem:v4+s18+$0x0], $0xffff  }
0x45: {  	v2 =	vsub.f32 v2, v5  }
0x46: {  	v3 =	vmul.f32 $6.300000000e+01, v3  }
0x47: {  	v1 =	vmul.f32 v2, v1  }
0x48: {  	v5 =	vld.idx.msk [tilespmem:v4+s17+$0x0], $0xffff;
	v7 =	vtrunc.f32 v3  }
0x49: {  	v1 =	vadd.f32 v1, v6;
	v6 =	vcvt.f32.s32 v7;
	_ =	sdelay $0x1  }
0x4a: {  	v1 =	vmul.f32 v1, v2;
	vm0 =	vgt.s32 v6, $0x0  }
0x4b: {  	v4 =	vld.idx.msk [tilespmem:v4+s3+$0x0], $0xffff;
	v6 =	vnsel vm0, $0x0, v6  }
0x4c: {  	v1 =	vadd.f32 v1, v5;
	v5 =	vmin.u32 v6, $0x3E  }
0x4d: {  	v6 =	vshll.u32 v5, $0x4  }
0x4e: {  	v1 =	vmul.f32 v1, v2;
	v2 =	vor.u32 v0, v6;
	_ =	sdelay $0x1  }
0x4f: {  	v1 =	vadd.f32 v1, v4;
	_ =	sdelay $0x1  }
0x50: {  	v4 =	vld [tilespmem:s28+$0x1030];
	[tilespmem:s28+$0x9010] =	vst v1  }
0x51: {  	v1 =	vld.idx.msk [tilespmem:v2+s19+$0x0], $0xffff  }
0x52: {  	v5 =	vcvt.s32.f32 v5  }
0x53: {  	v8 =	vld.idx.msk [tilespmem:v2+s18+$0x0], $0xffff  }
0x54: {  	v3 =	vsub.f32 v3, v5  }
0x55: {  	v4 =	vmul.f32 $6.300000000e+01, v4  }
0x56: {  	v1 =	vmul.f32 v3, v1  }
0x57: {  	v5 =	vld.idx.msk [tilespmem:v2+s17+$0x0], $0xffff;
	v9 =	vtrunc.f32 v4  }
0x58: {  	v1 =	vadd.f32 v1, v8;
	v8 =	vcvt.f32.s32 v9  }
0x59: {  	s13 =	simm.s32 $0x80;
	s12 =	simm.s32 $0x100  }
0x5a: {  	s1 =	sand.u32 $0x380, s13;
	s0 =	sand.u32 $0x3800, s12;
	v1 =	vmul.f32 v1, v3;
	vm0 =	vgt.s32 v8, $0x0  }
0x5b: {  	s0 =	sor.u32 s0, s1;
	v2 =	vld.idx.msk [tilespmem:v2+s3+$0x0], $0xffff;
	v8 =	vnsel vm0, $0x0, v8  }
0x5c: {  	s29 =	sor.u32 s26, s0;
	v1 =	vadd.f32 v1, v5;
	v5 =	vmin.u32 v8, $0x3E  }
0x5d: {  	v8 =	vld [tilespmem:s29+$0x1000];
	v9 =	vshll.u32 v5, $0x4  }
0x5e: {  	v1 =	vmul.f32 v1, v3;
	v3 =	vor.u32 v0, v9;
	_ =	sdelay $0x1  }
0x5f: {  	v1 =	vadd.f32 v1, v2;
	_ =	sdelay $0x1  }
0x60: {  	v7 =	vld [tilespmem:s28+$0x1040];
	v2 =	vmul.f32 $6.300000000e+01, v8;
	[tilespmem:s28+$0x9020] =	vst v1  }
0x61: {  	v1 =	vld.idx.msk [tilespmem:v3+s19+$0x0], $0xffff  }
0x62: {  	v5 =	vcvt.s32.f32 v5;
	v8 =	vtrunc.f32 v2  }
0x63: {  	v9 =	vld.idx.msk [tilespmem:v3+s18+$0x0], $0xffff;
	v8 =	vcvt.f32.s32 v8  }
0x64: {  	v4 =	vsub.f32 v4, v5  }
0x65: {  	v5 =	vmul.f32 $6.300000000e+01, v7;
	vm0 =	vgt.s32 v8, $0x0  }
0x66: {  	v7 =	vnsel vm0, $0x0, v8;
	v1 =	vmul.f32 v4, v1  }
0x67: {  	v10 =	vld.idx.msk [tilespmem:v3+s17+$0x0], $0xffff;
	v8 =	vtrunc.f32 v5;
	v7 =	vmin.u32 v7, $0x3E  }
0x68: {  	v8 =	vcvt.f32.s32 v8;
	v11 =	vshll.u32 v7, $0x4;
	v1 =	vadd.f32 v1, v9  }
0x69: {  	v9 =	vor.u32 v0, v11  }
0x6a: {  	vm0 =	vgt.s32 v8, $0x0;
	v1 =	vmul.f32 v1, v4  }
0x6b: {  	v3 =	vld.idx.msk [tilespmem:v3+s3+$0x0], $0xffff;
	v8 =	vnsel vm0, $0x0, v8  }
0x6c: {  	v8 =	vmin.u32 v8, $0x3E;
	v1 =	vadd.f32 v1, v10  }
0x6d: {  	v11 =	vshll.u32 v8, $0x4;
	v10 =	vld [tilespmem:s29+$0x1010]  }
0x6e: {  	v12 =	vld.idx.msk [tilespmem:v9+s19+$0x0], $0xffff;
	v1 =	vmul.f32 v1, v4;
	v4 =	vor.u32 v0, v11  }
0x6f: {  	v7 =	vcvt.s32.f32 v7  }
0x70: {  	v11 =	vld.idx.msk [tilespmem:v9+s18+$0x0], $0xffff;
	v1 =	vadd.f32 v1, v3  }
0x71: {  	v2 =	vsub.f32 v2, v7  }
0x72: {  	v6 =	vld [tilespmem:s28+$0x1050];
	v3 =	vmul.f32 $6.300000000e+01, v10;
	[tilespmem:s28+$0x9030] =	vst v1  }
0x73: {  	v1 =	vmul.f32 v2, v12;
	v7 =	vld.idx.msk [tilespmem:v4+s19+$0x0], $0xffff  }
0x74: {  	v8 =	vcvt.s32.f32 v8;
	v12 =	vld.idx.msk [tilespmem:v9+s17+$0x0], $0xffff;
	v10 =	vtrunc.f32 v3  }
0x75: {  	v10 =	vcvt.f32.s32 v10;
	v1 =	vadd.f32 v1, v11;
	v11 =	vld.idx.msk [tilespmem:v4+s18+$0x0], $0xffff  }
0x76: {  	v5 =	vsub.f32 v5, v8  }
0x77: {  	v6 =	vmul.f32 $6.300000000e+01, v6;
	vm0 =	vgt.s32 v10, $0x0;
	v1 =	vmul.f32 v1, v2  }
0x78: {  	v9 =	vld.idx.msk [tilespmem:v9+s3+$0x0], $0xffff;
	v8 =	vnsel vm0, $0x0, v10;
	v7 =	vmul.f32 v5, v7  }
0x79: {  	v13 =	vld.idx.msk [tilespmem:v4+s17+$0x0], $0xffff;
	v10 =	vtrunc.f32 v6;
	v8 =	vmin.u32 v8, $0x3E;
	v1 =	vadd.f32 v1, v12  }
0x7a: {  	v10 =	vcvt.f32.s32 v10;
	v12 =	vshll.u32 v8, $0x4;
	v7 =	vadd.f32 v7, v11  }
0x7b: {  	v1 =	vmul.f32 v1, v2;
	v2 =	vor.u32 v0, v12  }
0x7c: {  	vm0 =	vgt.s32 v10, $0x0;
	v7 =	vmul.f32 v7, v5  }
0x7d: {  	v4 =	vld.idx.msk [tilespmem:v4+s3+$0x0], $0xffff;
	v1 =	vadd.f32 v1, v9;
	v9 =	vnsel vm0, $0x0, v10  }
0x7e: {  	v9 =	vmin.u32 v9, $0x3E;
	v7 =	vadd.f32 v7, v13  }
0x7f: {  	v10 =	vld [tilespmem:s29+$0x1020];
	[tilespmem:s29+$0x9000] =	vst v1;
	v1 =	vshll.u32 v9, $0x4  }
0x80: {  	v11 =	vld.idx.msk [tilespmem:v2+s19+$0x0], $0xffff;
	v1 =	vor.u32 v0, v1;
	v5 =	vmul.f32 v7, v5  }
0x81: {  	v8 =	vcvt.s32.f32 v8  }
0x82: {  	v12 =	vld.idx.msk [tilespmem:v2+s18+$0x0], $0xffff;
	v4 =	vadd.f32 v5, v4  }
0x83: {  	v8 =	vsub.f32 v3, v8  }
0x84: {  	v10 =	vmul.f32 $6.300000000e+01, v10;
	v5 =	vld [tilespmem:s28+$0x1060];
	[tilespmem:s28+$0x9040] =	vst v4  }
0x85: {  	v3 =	vmul.f32 v8, v11;
	v4 =	vld.idx.msk [tilespmem:v1+s19+$0x0], $0xffff  }
0x86: {  	v9 =	vcvt.s32.f32 v9;
	v13 =	vtrunc.f32 v10;
	v11 =	vld.idx.msk [tilespmem:v2+s17+$0x0], $0xffff  }
0x87: {  	v3 =	vadd.f32 v3, v12;
	v12 =	vcvt.f32.s32 v13;
	v13 =	vld.idx.msk [tilespmem:v1+s18+$0x0], $0xffff  }
0x88: {  	v6 =	vsub.f32 v6, v9  }
0x89: {  	v5 =	vmul.f32 $6.300000000e+01, v5;
	v3 =	vmul.f32 v3, v8;
	vm0 =	vgt.s32 v12, $0x0  }
0x8a: {  	v2 =	vld.idx.msk [tilespmem:v2+s3+$0x0], $0xffff;
	v9 =	vnsel vm0, $0x0, v12;
	v4 =	vmul.f32 v6, v4  }
0x8b: {  	v14 =	vld.idx.msk [tilespmem:v1+s17+$0x0], $0xffff;
	v12 =	vtrunc.f32 v5;
	v11 =	vadd.f32 v3, v11;
	v9 =	vmin.u32 v9, $0x3E  }
0x8c: {  	v12 =	vcvt.f32.s32 v12;
	v15 =	vshll.u32 v9, $0x4;
	v4 =	vadd.f32 v4, v13  }
0x8d: {  	v8 =	vmul.f32 v11, v8;
	v11 =	vor.u32 v0, v15  }
0x8e: {  	vm0 =	vgt.s32 v12, $0x0;
	v4 =	vmul.f32 v4, v6  }
0x8f: {  	v1 =	vld.idx.msk [tilespmem:v1+s3+$0x0], $0xffff;
	v2 =	vadd.f32 v8, v2;
	v8 =	vnsel vm0, $0x0, v12  }
0x90: {  	v8 =	vmin.u32 v8, $0x3E;
	v4 =	vadd.f32 v4, v14  }
0x91: {  	v12 =	vld [tilespmem:s29+$0x1030];
	[tilespmem:s29+$0x9010] =	vst v2;
	v2 =	vshll.u32 v8, $0x4  }
0x92: {  	v14 =	vld.idx.msk [tilespmem:v11+s19+$0x0], $0xffff;
	v2 =	vor.u32 v0, v2;
	v4 =	vmul.f32 v4, v6  }
0x93: {  	v6 =	vcvt.s32.f32 v9  }
0x94: {  	v9 =	vld.idx.msk [tilespmem:v11+s18+$0x0], $0xffff;
	v1 =	vadd.f32 v4, v1  }
0x95: {  	v6 =	vsub.f32 v10, v6  }
0x96: {  	v4 =	vld [tilespmem:s28+$0x1070];
	v10 =	vmul.f32 $6.300000000e+01, v12;
	[tilespmem:s28+$0x9050] =	vst v1  }
0x97: {  	s2 =	simm.s32 $0x100;
	s1 =	simm.s32 $0x200;
	v1 =	vmul.f32 v6, v14;
	v12 =	vld.idx.msk [tilespmem:v2+s19+$0x0], $0xffff  }
0x98: {  	s0 =	sand.u32 $0x3800, s1;
	s1 =	sand.u32 $0x380, s2;
	v8 =	vcvt.s32.f32 v8;
	v14 =	vld.idx.msk [tilespmem:v11+s17+$0x0], $0xffff;
	v15 =	vtrunc.f32 v10  }
0x99: {  	s0 =	sor.u32 s0, s1;
	v1 =	vadd.f32 v1, v9;
	v9 =	vcvt.f32.s32 v15;
	v15 =	vld.idx.msk [tilespmem:v2+s18+$0x0], $0xffff  }
0x9a: {  	s30 =	sor.u32 s26, s0;
	v5 =	vsub.f32 v5, v8  }
0x9b: {  	v8 =	vld [tilespmem:s30+$0x1000];
	v4 =	vmul.f32 $6.300000000e+01, v4;
	v1 =	vmul.f32 v1, v6;
	vm0 =	vgt.s32 v9, $0x0  }
0x9c: {  	v11 =	vld.idx.msk [tilespmem:v11+s3+$0x0], $0xffff;
	v9 =	vnsel vm0, $0x0, v9;
	v12 =	vmul.f32 v5, v12  }
0x9d: {  	v16 =	vld.idx.msk [tilespmem:v2+s17+$0x0], $0xffff;
	v17 =	vtrunc.f32 v4;
	v1 =	vadd.f32 v1, v14;
	v9 =	vmin.u32 v9, $0x3E  }
0x9e: {  	v17 =	vcvt.f32.s32 v17;
	v14 =	vshll.u32 v9, $0x4;
	v12 =	vadd.f32 v12, v15  }
0x9f: {  	v1 =	vmul.f32 v1, v6;
	v6 =	vor.u32 v0, v14  }
0xa0: {  	vm0 =	vgt.s32 v17, $0x0;
	v12 =	vmul.f32 v12, v5  }
0xa1: {  	v2 =	vld.idx.msk [tilespmem:v2+s3+$0x0], $0xffff;
	v1 =	vadd.f32 v1, v11;
	v11 =	vnsel vm0, $0x0, v17  }
0xa2: {  	v8 =	vmul.f32 $6.300000000e+01, v8;
	v11 =	vmin.u32 v11, $0x3E;
	v12 =	vadd.f32 v12, v16  }
0xa3: {  	v13 =	vld [tilespmem:s29+$0x1040];
	[tilespmem:s29+$0x9020] =	vst v1;
	v1 =	vshll.u32 v11, $0x4  }
0xa4: {  	v14 =	vtrunc.f32 v8;
	v15 =	vld.idx.msk [tilespmem:v6+s19+$0x0], $0xffff;
	v5 =	vmul.f32 v12, v5;
	v12 =	vor.u32 v0, v1  }
0xa5: {  	v9 =	vcvt.s32.f32 v9;
	v14 =	vcvt.f32.s32 v14  }
0xa6: {  	v16 =	vld.idx.msk [tilespmem:v6+s18+$0x0], $0xffff;
	v5 =	vadd.f32 v5, v2  }
0xa7: {  	v9 =	vsub.f32 v10, v9;
	vm0 =	vgt.s32 v14, $0x0  }
0xa8: {  	s12 =	simm.s32 $0x300;
	s1 =	simm.s32 $0x180;
	v7 =	vld [tilespmem:s28+$0x1400];
	v10 =	vmul.f32 $6.300000000e+01, v13;
	v13 =	vnsel vm0, $0x0, v14;
	[tilespmem:s28+$0x9060] =	vst v5  }
0xa9: {  	s0 =	sand.u32 $0x3800, s12;
	s13 =	sand.u32 $0x380, s1;
	v5 =	vmin.u32 v13, $0x3E;
	v13 =	vmul.f32 v9, v15;
	v14 =	vld.idx.msk [tilespmem:v12+s19+$0x0], $0xffff  }
0xaa: {  	s0 =	sor.u32 s0, s13;
	v11 =	vcvt.s32.f32 v11;
	v17 =	vld.idx.msk [tilespmem:v6+s17+$0x0], $0xffff;
	v15 =	vtrunc.f32 v10;
	v18 =	vshll.u32 v5, $0x4  }
0xab: {  	s31 =	sor.u32 s26, s0;
	v15 =	vcvt.f32.s32 v15;
	v18 =	vor.u32 v0, v18;
	v13 =	vadd.f32 v13, v16;
	v16 =	vld.idx.msk [tilespmem:v12+s18+$0x0], $0xffff  }
0xac: {  	v26 =	vld [tilespmem:s31+$0x1010];
	v4 =	vsub.f32 v4, v11  }
0xad: {  	v7 =	vmul.f32 $6.300000000e+01, v7;
	v6 =	vld.idx.msk [tilespmem:v6+s3+$0x0], $0xffff;
	vm0 =	vgt.s32 v15, $0x0;
	v13 =	vmul.f32 v13, v9  }
0xae: {  	v11 =	vld [tilespmem:s30+$0x1010];
	v15 =	vnsel vm0, $0x0, v15;
	v14 =	vmul.f32 v4, v14  }
0xaf: {  	v19 =	vtrunc.f32 v7;
	v20 =	vld.idx.msk [tilespmem:v12+s17+$0x0], $0xffff;
	v15 =	vmin.u32 v15, $0x3E;
	v13 =	vadd.f32 v13, v17  }
0xb0: {  	v17 =	vcvt.f32.s32 v19;
	v21 =	vshll.u32 v15, $0x4;
	v19 =	vld.idx.msk [tilespmem:v18+s19+$0x0], $0xffff;
	v14 =	vadd.f32 v14, v16  }
0xb1: {  	v3 =	vld [tilespmem:s29+$0x1050];
	v5 =	vcvt.s32.f32 v5;
	v9 =	vmul.f32 v13, v9;
	v13 =	vor.u32 v0, v21  }
0xb2: {  	v16 =	vld.idx.msk [tilespmem:v18+s18+$0x0], $0xffff;
	vm0 =	vgt.s32 v17, $0x0;
	v14 =	vmul.f32 v14, v4  }
0xb3: {  	v5 =	vsub.f32 v8, v5;
	v8 =	vnsel vm0, $0x0, v17;
	v6 =	vadd.f32 v9, v6;
	v9 =	vld.idx.msk [tilespmem:v12+s3+$0x0], $0xffff  }
0xb4: {  	v1 =	vld [tilespmem:s28+$0x1438];
	v11 =	vmul.f32 $6.300000000e+01, v11;
	v8 =	vmin.u32 v8, $0x3E;
	v12 =	vadd.f32 v14, v20  }
0xb5: {  	v17 =	vshll.u32 v8, $0x4;
	v14 =	vld.idx.msk [tilespmem:v18+s17+$0x0], $0xffff;
	[tilespmem:s29+$0x9030] =	vst v6;
	v6 =	vmul.f32 v5, v19  }
0xb6: {  	v19 =	vtrunc.f32 v11;
	v20 =	vld.idx.msk [tilespmem:v13+s19+$0x0], $0xffff;
	v4 =	vmul.f32 v12, v4;
	v12 =	vor.u32 v0, v17  }
0xb7: {  	v2 =	vld [tilespmem:s28+$0x1430];
	v15 =	vcvt.s32.f32 v15;
	v19 =	vcvt.f32.s32 v19;
	v6 =	vadd.f32 v6, v16  }
0xb8: {  	v3 =	vmul.f32 $6.300000000e+01, v3;
	v16 =	vld.idx.msk [tilespmem:v13+s18+$0x0], $0xffff;
	v4 =	vadd.f32 v4, v9  }
0xb9: {  	v10 =	vsub.f32 v10, v15;
	v18 =	vld.idx.msk [tilespmem:v18+s3+$0x0], $0xffff;
	vm0 =	vgt.s32 v19, $0x0;
	v6 =	vmul.f32 v6, v5  }
0xba: {  	v15 =	vtrunc.f32 v3;
	v9 =	vld [tilespmem:s28+$0x1410];
	v19 =	vnsel vm0, $0x0, v19;
	[tilespmem:s28+$0x9070] =	vst v4  }
0xbb: {  	v4 =	vmin.u32 v19, $0x3E;
	v6 =	vadd.f32 v6, v14;
	v14 =	vmul.f32 v10, v20;
	v19 =	vld.idx.msk [tilespmem:v12+s19+$0x0], $0xffff  }
0xbc: {  	v15 =	vcvt.f32.s32 v15;
	v8 =	vcvt.s32.f32 v8;
	v20 =	vld.idx.msk [tilespmem:v13+s17+$0x0], $0xffff;
	v21 =	vshll.u32 v4, $0x4  }
0xbd: {  	v5 =	vmul.f32 v6, v5;
	v6 =	vor.u32 v0, v21;
	v14 =	vadd.f32 v14, v16;
	v16 =	vld.idx.msk [tilespmem:v12+s18+$0x0], $0xffff  }
0xbe: {  	v7 =	vsub.f32 v7, v8;
	v8 =	vld [tilespmem:s30+$0x1020];
	vm0 =	vgt.s32 v15, $0x0  }
0xbf: {  	v17 =	vld [tilespmem:s28+$0x1420];
	v9 =	vmul.f32 $6.300000000e+01, v9;
	v5 =	vadd.f32 v5, v18;
	v14 =	vmul.f32 v14, v10  }
0xc0: {  	v15 =	vnsel vm0, $0x0, v15;
	v13 =	vld.idx.msk [tilespmem:v13+s3+$0x0], $0xffff;
	v18 =	vmul.f32 v7, v19  }
0xc1: {  	v21 =	vtrunc.f32 v9;
	v19 =	vld.idx.msk [tilespmem:v12+s17+$0x0], $0xffff;
	[tilespmem:s30+$0x9000] =	vst v5;
	v5 =	vadd.f32 v14, v20;
	v14 =	vmin.u32 v15, $0x3E  }
0xc2: {  	v21 =	vcvt.f32.s32 v21;
	v15 =	vld.idx.msk [tilespmem:v6+s19+$0x0], $0xffff;
	v20 =	vshll.u32 v14, $0x4;
	v16 =	vadd.f32 v18, v16  }
0xc3: {  	v4 =	vcvt.s32.f32 v4;
	v12 =	vld.idx.msk [tilespmem:v12+s3+$0x0], $0xffff;
	v5 =	vmul.f32 v5, v10;
	v10 =	vor.u32 v0, v20  }
0xc4: {  	v20 =	vld.idx.msk [tilespmem:v6+s18+$0x0], $0xffff;
	vm0 =	vgt.s32 v21, $0x0;
	v16 =	vmul.f32 v16, v7  }
0xc5: {  	v4 =	vsub.f32 v11, v4;
	v18 =	vld [tilespmem:s29+$0x1060];
	v11 =	vnsel vm0, $0x0, v21;
	v5 =	vadd.f32 v5, v13  }
0xc6: {  	v8 =	vmul.f32 $6.300000000e+01, v8;
	v13 =	vld [tilespmem:s29+$0x1400];
	v11 =	vmin.u32 v11, $0x3E;
	v16 =	vadd.f32 v16, v19  }
0xc7: {  	v19 =	vld.idx.msk [tilespmem:v6+s17+$0x0], $0xffff;
	[tilespmem:s29+$0x9040] =	vst v5;
	v5 =	vmul.f32 v4, v15;
	v15 =	vshll.u32 v11, $0x4  }
0xc8: {  	v21 =	vtrunc.f32 v8;
	v22 =	vld.idx.msk [tilespmem:v10+s19+$0x0], $0xffff;
	v15 =	vor.u32 v0, v15;
	v7 =	vmul.f32 v16, v7  }
0xc9: {  	v14 =	vcvt.s32.f32 v14;
	v6 =	vld.idx.msk [tilespmem:v6+s3+$0x0], $0xffff;
	v5 =	vadd.f32 v5, v20;
	v20 =	vcvt.f32.s32 v21  }
0xca: {  	v1 =	vmul.f32 $6.300000000e+01, v1;
	v23 =	vmul.f32 $6.300000000e+01, v18;
	v18 =	vld.idx.msk [tilespmem:v10+s18+$0x0], $0xffff;
	v7 =	vadd.f32 v7, v12  }
0xcb: {  	v16 =	vld [tilespmem:s29+$0x1070];
	v5 =	vmul.f32 v5, v4;
	vm0 =	vgt.s32 v20, $0x0;
	v12 =	vsub.f32 v3, v14  }
0xcc: {  	v2 =	vmul.f32 $6.300000000e+01, v2;
	v3 =	vtrunc.f32 v23;
	v14 =	vnsel vm0, $0x0, v20;
	v20 =	vld.idx.msk [tilespmem:v10+s17+$0x0], $0xffff;
	[tilespmem:s28+$0x9400] =	vst v7  }
0xcd: {  	v5 =	vadd.f32 v5, v19;
	v7 =	vmin.u32 v14, $0x3E;
	v14 =	vmul.f32 v12, v22;
	v19 =	vld.idx.msk [tilespmem:v15+s19+$0x0], $0xffff  }
0xce: {  	v11 =	vcvt.s32.f32 v11;
	v3 =	vcvt.f32.s32 v3;
	v22 =	vld [tilespmem:s30+$0x1050];
	v21 =	vshll.u32 v7, $0x4  }
0xcf: {  	v5 =	vmul.f32 v5, v4;
	v24 =	vor.u32 v0, v21;
	v14 =	vadd.f32 v14, v18;
	v18 =	vld.idx.msk [tilespmem:v15+s18+$0x0], $0xffff  }
0xd0: {  	v11 =	vsub.f32 v9, v11;
	vm0 =	vgt.s32 v3, $0x0;
	v27 =	vld.idx.msk [tilespmem:v15+s3+$0x0], $0xffff;
	v4 =	vmul.f32 $6.300000000e+01, v17  }
0xd1: {  	v7 =	vcvt.s32.f32 v7;
	v5 =	vadd.f32 v5, v6;
	v6 =	vld.idx.msk [tilespmem:v10+s3+$0x0], $0xffff;
	v10 =	vmul.f32 v14, v12  }
0xd2: {  	v3 =	vnsel vm0, $0x0, v3;
	v17 =	vld.idx.msk [tilespmem:v15+s17+$0x0], $0xffff;
	v9 =	vtrunc.f32 v4;
	v19 =	vmul.f32 v11, v19  }
0xd3: {  	v14 =	vld [tilespmem:s30+$0x1030];
	[tilespmem:s30+$0x9010] =	vst v5;
	v5 =	vadd.f32 v10, v20;
	v10 =	vmin.u32 v3, $0x3E;
	v3 =	vmul.f32 $6.300000000e+01, v13  }
0xd4: {  	v13 =	vcvt.f32.s32 v9;
	v20 =	vld.idx.msk [tilespmem:v24+s19+$0x0], $0xffff;
	v25 =	vshll.u32 v10, $0x4;
	v18 =	vadd.f32 v19, v18  }
0xd5: {  	v21 =	vld [tilespmem:s30+$0x1040];
	v9 =	vmul.f32 $6.300000000e+01, v16;
	v5 =	vmul.f32 v5, v12;
	v12 =	vor.u32 v0, v25  }
0xd6: {  	v62 =	vld.idx.msk [tilespmem:v24+s18+$0x0], $0xffff;
	v63 =	vcvt.s32.f32 v10;
	vm0 =	vgt.s32 v13, $0x0;
	v15 =	vmul.f32 v18, v11  }
0xd7: {  	v28 =	vld [tilespmem:s31+$0x1000];
	v5 =	vadd.f32 v5, v6;
	v18 =	vsub.f32 v8, v7;
	v7 =	vnsel vm0, $0x0, v13  }
0xd8: {  	v16 =	vmul.f32 $6.300000000e+01, v14;
	v7 =	vmin.u32 v7, $0x3E;
	v13 =	vadd.f32 v15, v17  }
0xd9: {  	v19 =	vld.idx.msk [tilespmem:v24+s17+$0x0], $0xffff;
	v6 =	vmul.f32 $6.300000000e+01, v22;
	v14 =	vmul.f32 v18, v20;
	v15 =	vshll.u32 v7, $0x4;
	[tilespmem:s29+$0x9050] =	vst v5  }
0xda: {  	v17 =	vtrunc.f32 v16;
	v5 =	vor.u32 v0, v15;
	v15 =	vld.idx.msk [tilespmem:v12+s19+$0x0], $0xffff;
	v13 =	vmul.f32 v13, v11  }
0xdb: {  	v8 =	vmul.f32 $6.300000000e+01, v21;
	v21 =	vcvt.f32.s32 v17;
	v22 =	vadd.f32 v14, v62  }
0xdc: {  	v17 =	vmul.f32 $6.300000000e+01, v28;
	v14 =	vld.idx.msk [tilespmem:v12+s18+$0x0], $0xffff;
	v11 =	vmul.f32 $6.300000000e+01, v26;
	v10 =	vadd.f32 v13, v27  }
0xdd: {  	s12 =	simm.s32 $0x400;
	s0 =	sor.u32 $0x1000, s26;
	v20 =	vld.idx.msk [tilespmem:v24+s3+$0x0], $0xffff;
	vm0 =	vgt.s32 v21, $0x0;
	v22 =	vmul.f32 v22, v18;
	v13 =	vsub.f32 v23, v63  }
.LBB2_3:
0xde: {  	p0 =	sne.s32 s12, $0x3F00;
	v21 =	vnsel vm0, $0x0, v21;
	v23 =	vld.idx.msk [tilespmem:v12+s17+$0x0], $0xffff;
	v24 =	vtrunc.f32 v9;
	[tilespmem:s28+$0x9410] =	vst v10;
	v25 =	vtrunc.f32 v1  }
0xdf: {  	v10 =	vadd.f32 v22, v19;
	v19 =	vmin.u32 v21, $0x3E;
	v15 =	vmul.f32 v13, v15;
	v21 =	vld.idx.msk [tilespmem:v5+s19+$0x0], $0xffff  }
0xe0: {  	v7 =	vcvt.s32.f32 v7;
	v24 =	vcvt.f32.s32 v24;
	v22 =	vshll.u32 v19, $0x4  }
0xe1: {  	v10 =	vmul.f32 v10, v18;
	v18 =	vor.u32 v0, v22;
	v14 =	vadd.f32 v15, v14;
	v15 =	vld.idx.msk [tilespmem:v5+s18+$0x0], $0xffff  }
0xe2: {  	v26 =	vtrunc.f32 v2;
	vm0 =	vgt.s32 v24, $0x0;
	v22 =	vtrunc.f32 v3  }
0xe3: {  	v7 =	vsub.f32 v4, v7;
	v10 =	vadd.f32 v10, v20;
	v12 =	vld.idx.msk [tilespmem:v12+s3+$0x0], $0xffff;
	v14 =	vmul.f32 v14, v13  }
0xe4: {  	v4 =	vtrunc.f32 v17;
	v24 =	vnsel vm0, $0x0, v24;
	v20 =	vtrunc.f32 v8  }
0xe5: {  	v21 =	vmul.f32 v7, v21;
	[tilespmem:s30+$0x9020] =	vst v10;
	v10 =	vadd.f32 v14, v23;
	v14 =	vmin.u32 v24, $0x3E;
	v23 =	vld.idx.msk [tilespmem:v5+s17+$0x0], $0xffff  }
0xe6: {  	v26 =	vcvt.f32.s32 v26;
	v20 =	vcvt.f32.s32 v20;
	v24 =	vld.idx.msk [tilespmem:v18+s19+$0x0], $0xffff;
	v27 =	vshll.u32 v14, $0x4  }
0xe7: {  	v15 =	vadd.f32 v21, v15;
	v13 =	vmul.f32 v10, v13;
	v27 =	vor.u32 v0, v27;
	v10 =	vld [tilespmem:s29+$0x1438]  }
0xe8: {  	v19 =	vcvt.s32.f32 v19;
	v4 =	vcvt.f32.s32 v4;
	v21 =	vld.idx.msk [tilespmem:v18+s18+$0x0], $0xffff  }
0xe9: {  	vm0 =	vgt.s32 v26, $0x0;
	v15 =	vmul.f32 v15, v7;
	v12 =	vadd.f32 v13, v12;
	v13 =	vld.idx.msk [tilespmem:v5+s3+$0x0], $0xffff  }
0xea: {  	v16 =	vsub.f32 v16, v19;
	vm1 =	vgt.s32 v4, $0x0;
	v19 =	vnsel vm0, $0x0, v26;
	v5 =	vld [tilespmem:s29+$0x1430]  }
0xeb: {  	v4 =	vnsel vm1, $0x0, v4;
	v26 =	vld.idx.msk [tilespmem:v18+s17+$0x0], $0xffff;
	[tilespmem:s29+$0x9060] =	vst v12;
	v12 =	vadd.f32 v15, v23;
	v15 =	vmin.u32 v19, $0x3E  }
0xec: {  	v19 =	vmin.u32 v4, $0x3E;
	v23 =	vmul.f32 v16, v24;
	v24 =	vld.idx.msk [tilespmem:v27+s19+$0x0], $0xffff;
	v28 =	vshll.u32 v15, $0x4  }
0xed: {  	v29 =	vshll.u32 v19, $0x4;
	v4 =	vld [tilespmem:s29+$0x1420];
	v7 =	vmul.f32 v12, v7;
	v12 =	vor.u32 v0, v28  }
0xee: {  	v14 =	vcvt.s32.f32 v14;
	v28 =	vor.u32 v0, v29;
	v21 =	vadd.f32 v23, v21;
	v23 =	vld.idx.msk [tilespmem:v27+s18+$0x0], $0xffff  }
0xef: {  	v30 =	vtrunc.f32 v6;
	v29 =	vtrunc.f32 v11;
	v31 =	vld [tilespmem:s29+$0x1410];
	v7 =	vadd.f32 v7, v13  }
0xf0: {  	vm0 =	vgt.s32 v20, $0x0;
	v9 =	vsub.f32 v9, v14;
	v13 =	vld.idx.msk [tilespmem:v18+s3+$0x0], $0xffff;
	v18 =	vmul.f32 v21, v16  }
0xf1: {  	v14 =	vnsel vm0, $0x0, v20;
	v21 =	vcvt.f32.s32 v22;
	v22 =	vcvt.f32.s32 v25;
	v20 =	vld.idx.msk [tilespmem:v27+s17+$0x0], $0xffff;
	[tilespmem:s28+$0x9420] =	vst v7  }
0xf2: {  	v14 =	vmin.u32 v14, $0x3E;
	v7 =	vadd.f32 v18, v26;
	v18 =	vmul.f32 v9, v24;
	v24 =	vld.idx.msk [tilespmem:v12+s19+$0x0], $0xffff  }
0xf3: {  	v30 =	vcvt.f32.s32 v30;
	v15 =	vcvt.s32.f32 v15;
	v26 =	vshll.u32 v14, $0x4;
	v25 =	vld.idx.msk [tilespmem:v28+s19+$0x0], $0xffff  }
0xf4: {  	v7 =	vmul.f32 v7, v16;
	v16 =	vor.u32 v0, v26;
	v18 =	vadd.f32 v18, v23;
	v23 =	vld.idx.msk [tilespmem:v12+s18+$0x0], $0xffff  }
0xf5: {  	v19 =	vcvt.s32.f32 v19;
	v29 =	vcvt.f32.s32 v29;
	vm0 =	vgt.s32 v21, $0x0;
	v26 =	vld.idx.msk [tilespmem:v28+s18+$0x0], $0xffff  }
0xf6: {  	v2 =	vsub.f32 v2, v15;
	v7 =	vadd.f32 v7, v13;
	v13 =	vld.idx.msk [tilespmem:v27+s3+$0x0], $0xffff;
	v18 =	vmul.f32 v18, v9  }
0xf7: {  	v15 =	vsub.f32 v17, v19;
	v19 =	vnsel vm0, $0x0, v21;
	vm0 =	vgt.s32 v22, $0x0;
	v17 =	vld.idx.msk [tilespmem:v28+s17+$0x0], $0xffff  }
0xf8: {  	v19 =	vmin.u32 v19, $0x3E;
	v21 =	vmul.f32 v2, v24;
	[tilespmem:s30+$0x9030] =	vst v7;
	v18 =	vadd.f32 v18, v20;
	v20 =	vld.idx.msk [tilespmem:v12+s17+$0x0], $0xffff  }
0xf9: {  	vm1 =	vgt.s32 v29, $0x0;
	v27 =	vshll.u32 v19, $0x4;
	v24 =	vmul.f32 v15, v25;
	v25 =	vld.idx.msk [tilespmem:v16+s19+$0x0], $0xffff  }
0xfa: {  	v21 =	vadd.f32 v21, v23;
	v7 =	vld [tilespmem:s30+$0x1400];
	v9 =	vmul.f32 v18, v9;
	v18 =	vor.u32 v0, v27  }
0xfb: {  	v14 =	vcvt.s32.f32 v14;
	v22 =	vnsel vm0, $0x0, v22;
	v23 =	vadd.f32 v24, v26;
	v24 =	vld.idx.msk [tilespmem:v16+s18+$0x0], $0xffff  }
0xfc: {  	v26 =	vnsel vm1, $0x0, v29;
	v9 =	vadd.f32 v9, v13;
	v12 =	vld.idx.msk [tilespmem:v12+s3+$0x0], $0xffff;
	v13 =	vmul.f32 v21, v2  }
0xfd: {  	v8 =	vsub.f32 v8, v14;
	v14 =	vmin.u32 v22, $0x3E;
	v23 =	vmul.f32 v23, v15;
	v21 =	vld.idx.msk [tilespmem:v28+s3+$0x0], $0xffff  }
0xfe: {  	v22 =	vmin.u32 v26, $0x3E;
	v26 =	vld.idx.msk [tilespmem:v16+s17+$0x0], $0xffff;
	[tilespmem:s29+$0x9070] =	vst v9;
	v9 =	vadd.f32 v13, v20;
	v13 =	vshll.u32 v14, $0x4  }
0xff: {  	v19 =	vcvt.s32.f32 v19;
	v17 =	vadd.f32 v23, v17;
	v20 =	vmul.f32 v8, v25;
	v23 =	vld.idx.msk [tilespmem:v18+s19+$0x0], $0xffff  }
0x100: {  	v25 =	vshll.u32 v22, $0x4;
	v27 =	vld [tilespmem:s30+$0x1060];
	v2 =	vmul.f32 v9, v2;
	v9 =	vor.u32 v0, v13  }
0x101: {  	v13 =	vmul.f32 v17, v15;
	v15 =	vor.u32 v0, v25;
	v17 =	vadd.f32 v20, v24;
	v20 =	vld.idx.msk [tilespmem:v18+s18+$0x0], $0xffff  }
0x102: {  	vm0 =	vgt.s32 v30, $0x0;
	v25 =	vmul.f32 $6.300000000e+01, v31;
	v24 =	vld [tilespmem:s31+$0x1020];
	v2 =	vadd.f32 v2, v12  }
0x103: {  	v3 =	vsub.f32 v3, v19;
	v12 =	vadd.f32 v13, v21;
	v13 =	vmul.f32 v17, v8;
	v16 =	vld.idx.msk [tilespmem:v16+s3+$0x0], $0xffff  }
0x104: {  	v10 =	vmul.f32 $6.300000000e+01, v10;
	v17 =	vnsel vm0, $0x0, v30;
	v21 =	vtrunc.f32 v25;
	v19 =	vld.idx.msk [tilespmem:v18+s17+$0x0], $0xffff;
	[tilespmem:s28+$0x9430] =	vst v2  }
0x105: {  	v2 =	vadd.f32 v13, v26;
	v13 =	vmul.f32 v3, v23;
	[tilespmem:s31+$0x9000] =	vst v12;
	v12 =	vmin.u32 v17, $0x3E;
	v17 =	vld.idx.msk [tilespmem:v9+s19+$0x0], $0xffff  }
0x106: {  	v14 =	vcvt.s32.f32 v14;
	v21 =	vcvt.f32.s32 v21;
	v23 =	vld.idx.msk [tilespmem:v15+s19+$0x0], $0xffff;
	v26 =	vshll.u32 v12, $0x4  }
0x107: {  	v2 =	vmul.f32 v2, v8;
	v20 =	vadd.f32 v13, v20;
	v8 =	vor.u32 v0, v26;
	v26 =	vld.idx.msk [tilespmem:v9+s18+$0x0], $0xffff  }
0x108: {  	v22 =	vcvt.s32.f32 v22;
	vm0 =	vgt.s32 v21, $0x0;
	v13 =	vmul.f32 $6.300000000e+01, v27;
	v28 =	vld.idx.msk [tilespmem:v15+s18+$0x0], $0xffff  }
0x109: {  	v14 =	vsub.f32 v1, v14;
	v2 =	vadd.f32 v2, v16;
	v16 =	vld.idx.msk [tilespmem:v18+s3+$0x0], $0xffff;
	v18 =	vmul.f32 v20, v3  }
0x10a: {  	v11 =	vsub.f32 v11, v22;
	v1 =	vmovc v10;
	v21 =	vnsel vm0, $0x0, v21;
	v22 =	vmul.f32 $6.300000000e+01, v24;
	v20 =	vld.idx.msk [tilespmem:v15+s17+$0x0], $0xffff  }
0x10b: {  	v10 =	vmin.u32 v21, $0x3E;
	v17 =	vmul.f32 v14, v17;
	[tilespmem:s30+$0x9040] =	vst v2;
	v2 =	vadd.f32 v18, v19;
	v18 =	vld.idx.msk [tilespmem:v9+s17+$0x0], $0xffff  }
0x10c: {  	v24 =	vshll.u32 v10, $0x4;
	v21 =	vtrunc.f32 v22;
	v19 =	vmul.f32 v11, v23;
	v23 =	vld.idx.msk [tilespmem:v8+s19+$0x0], $0xffff  }
0x10d: {  	v24 =	vor.u32 v0, v24;
	v27 =	vld [tilespmem:s30+$0x1070];
	v2 =	vmul.f32 v2, v3;
	v3 =	vadd.f32 v17, v26  }
0x10e: {  	v12 =	vcvt.s32.f32 v12;
	v17 =	vadd.f32 v19, v28;
	v19 =	vcvt.f32.s32 v21;
	v21 =	vld.idx.msk [tilespmem:v8+s18+$0x0], $0xffff  }
0x10f: {  	v26 =	vtrunc.f32 v13;
	v2 =	vadd.f32 v2, v16;
	v9 =	vld.idx.msk [tilespmem:v9+s3+$0x0], $0xffff;
	v3 =	vmul.f32 v3, v14  }
0x110: {  	v6 =	vsub.f32 v6, v12;
	v16 =	vmul.f32 v17, v11;
	vm0 =	vgt.s32 v19, $0x0;
	v15 =	vld.idx.msk [tilespmem:v15+s3+$0x0], $0xffff  }
0x111: {  	v12 =	vnsel vm0, $0x0, v19;
	v19 =	vcvt.f32.s32 v26;
	v17 =	vld.idx.msk [tilespmem:v8+s17+$0x0], $0xffff;
	[tilespmem:s29+$0x9400] =	vst v2;
	v2 =	vadd.f32 v3, v18  }
0x112: {  	v3 =	vadd.f32 v16, v20;
	v16 =	vmin.u32 v12, $0x3E;
	v12 =	vmul.f32 v6, v23;
	v18 =	vld.idx.msk [tilespmem:v24+s19+$0x0], $0xffff  }
0x113: {  	v10 =	vcvt.s32.f32 v10;
	v20 =	vshll.u32 v16, $0x4;
	v23 =	vld [tilespmem:s31+$0x1050];
	v2 =	vmul.f32 v2, v14  }
0x114: {  	v3 =	vmul.f32 v3, v11;
	v20 =	vor.u32 v0, v20;
	v11 =	vadd.f32 v12, v21;
	v14 =	vld.idx.msk [tilespmem:v24+s18+$0x0], $0xffff  }
0x115: {  	v4 =	vmul.f32 $6.300000000e+01, v4;
	vm0 =	vgt.s32 v19, $0x0;
	v21 =	vld [tilespmem:s31+$0x1040];
	v9 =	vadd.f32 v2, v9  }
0x116: {  	s1 =	sadd.s32 $0x80, s1;
	v10 =	vsub.f32 v25, v10;
	v3 =	vadd.f32 v3, v15;
	v11 =	vmul.f32 v11, v6;
	v8 =	vld.idx.msk [tilespmem:v8+s3+$0x0], $0xffff  }
0x117: {  	s13 =	sand.u32 $0x3800, s12;
	s2 =	sand.u32 $0x380, s1;
	v12 =	vnsel vm0, $0x0, v19;
	v19 =	vtrunc.f32 v4;
	v2 =	vmul.f32 $6.300000000e+01, v5;
	v15 =	vld [tilespmem:s31+$0x1030];
	[tilespmem:s28+$0x9438] =	vst v9;
	s28 =	smov.u32 s29  }
0x118: {  	s2 =	sor.u32 s13, s2;
	v5 =	vadd.f32 v11, v17;
	v11 =	vmin.u32 v12, $0x3E;
	v9 =	vmul.f32 v10, v18;
	s29 =	smov.u32 s30;
	s30 =	smov.u32 s31;
	[tilespmem:s31+$0x9010] =	vst v3;
	v17 =	vld.idx.msk [tilespmem:v24+s17+$0x0], $0xffff  }
0x119: {  	s31 =	sor.u32 s26, s2;
	v12 =	vshll.u32 v11, $0x4;
	v3 =	vmul.f32 $6.300000000e+01, v7;
	v7 =	vcvt.f32.s32 v19;
	v25 =	vld.idx.msk [tilespmem:v20+s19+$0x0], $0xffff  }
0x11a: {  	v5 =	vmul.f32 v5, v6;
	v12 =	vor.u32 v0, v12;
	v6 =	vadd.f32 v9, v14;
	v26 =	vld [tilespmem:s31+$0x1010]  }
0x11b: {  	v14 =	vcvt.s32.f32 v16;
	v9 =	vmul.f32 $6.300000000e+01, v27;
	v28 =	vld.idx.msk [tilespmem:v20+s18+$0x0], $0xffff  }
0x11c: {  	vm0 =	vgt.s32 v7, $0x0;
	v5 =	vadd.f32 v5, v8;
	v8 =	vmul.f32 v6, v10;
	v24 =	vld.idx.msk [tilespmem:v24+s3+$0x0], $0xffff  }
0x11d: {  	v18 =	vsub.f32 v22, v14;
	v6 =	vmul.f32 $6.300000000e+01, v23;
	v7 =	vnsel vm0, $0x0, v7;
	v27 =	vld [tilespmem:s31+$0x1000]  }
0x11e: {  	v16 =	vmul.f32 $6.300000000e+01, v15;
	v7 =	vmin.u32 v7, $0x3E;
	v19 =	vld.idx.msk [tilespmem:v20+s17+$0x0], $0xffff;
	[tilespmem:s29+$0x9050] =	vst v5;
	v5 =	vadd.f32 v8, v17  }
.Ltmp0:
0x11f: {  	v14 =	vmul.f32 v18, v25;
	v8 =	vmul.f32 $6.300000000e+01, v21;
	v17 =	vshll.u32 v7, $0x4;
	v15 =	vld.idx.msk [tilespmem:v12+s19+$0x0], $0xffff;
	(pc) =	sbr.rel @p0 .LBB2_3-.Ltmp0, $4  }
0x120: {  	v21 =	vtrunc.f32 v16;
	v10 =	vmul.f32 v5, v10;
	v5 =	vor.u32 v0, v17  }
0x121: {  	v23 =	vcvt.s32.f32 v11;
	v21 =	vcvt.f32.s32 v21;
	v22 =	vadd.f32 v14, v28;
	v14 =	vld.idx.msk [tilespmem:v12+s18+$0x0], $0xffff  }
0x122: {  	v11 =	vmul.f32 $6.300000000e+01, v26;
	v17 =	vmul.f32 $6.300000000e+01, v27;
	v10 =	vadd.f32 v10, v24  }
0x123: {  	s12 =	sadd.s32 $0x100, s12;
	v13 =	vsub.f32 v13, v23;
	vm0 =	vgt.s32 v21, $0x0;
	v22 =	vmul.f32 v22, v18;
	v20 =	vld.idx.msk [tilespmem:v20+s3+$0x0], $0xffff  }
0x124: {  	v23 =	vtrunc.f32 v17  }
0x125: {  	v23 =	vcvt.f32.s32 v23;
	_ =	sdelay $0x1  }
0x126: {  	vm1 =	vgt.s32 v23, $0x0  }
0x127: {  	v23 =	vnsel vm1, $0x0, v23  }
0x128: {  	v23 =	vmin.u32 v23, $0x3E  }
0x129: {  	v24 =	vshll.u32 v23, $0x4  }
0x12a: {  	v24 =	vor.u32 v0, v24;
	_ =	sdelay $0x4  }
0x12b: {  	v25 =	vld.idx.msk [tilespmem:v24+s19+$0x0], $0xffff  }
0x12c: {  	v23 =	vcvt.s32.f32 v23  }
0x12d: {  	v26 =	vld.idx.msk [tilespmem:v24+s18+$0x0], $0xffff  }
0x12e: {  	v49 =	vsub.f32 v17, v23;
	_ =	sdelay $0x1  }
0x12f: {  	v23 =	vmul.f32 v49, v25  }
0x130: {  	v50 =	vtrunc.f32 v11;
	v27 =	vld.idx.msk [tilespmem:v24+s17+$0x0], $0xffff  }
0x131: {  	v25 =	vcvt.f32.s32 v50;
	v23 =	vadd.f32 v23, v26;
	_ =	sdelay $0x1  }
0x132: {  	vm11 =	vgt.s32 v25, $0x0;
	v23 =	vmul.f32 v23, v49  }
0x133: {  	v24 =	vld.idx.msk [tilespmem:v24+s3+$0x0], $0xffff;
	v25 =	vnsel vm11, $0x0, v25  }
0x134: {  	v25 =	vmin.u32 v25, $0x3E;
	v23 =	vadd.f32 v23, v27  }
0x135: {  	v51 =	vshll.u32 v25, $0x4  }
0x136: {  	v52 =	vor.u32 v0, v51;
	v17 =	vmul.f32 v23, v49;
	_ =	sdelay $0x1  }
0x137: {  	v17 =	vadd.f32 v17, v24;
	_ =	sdelay $0x1  }
0x138: {  	v53 =	vld [tilespmem:s31+$0x1020];
	[tilespmem:s31+$0x9000] =	vst v17  }
0x139: {  	v17 =	vld.idx.msk [tilespmem:v52+s19+$0x0], $0xffff  }
0x13a: {  	v25 =	vcvt.s32.f32 v25  }
0x13b: {  	v26 =	vld.idx.msk [tilespmem:v52+s18+$0x0], $0xffff  }
0x13c: {  	v54 =	vsub.f32 v11, v25  }
0x13d: {  	v24 =	vmul.f32 $6.300000000e+01, v53  }
0x13e: {  	v17 =	vmul.f32 v54, v17  }
0x13f: {  	v56 =	vtrunc.f32 v24;
	v55 =	vld.idx.msk [tilespmem:v52+s17+$0x0], $0xffff  }
0x140: {  	v57 =	vcvt.f32.s32 v56;
	v17 =	vadd.f32 v17, v26;
	_ =	sdelay $0x1  }
0x141: {  	vm12 =	vgt.s32 v57, $0x0;
	v17 =	vmul.f32 v17, v54  }
0x142: {  	v23 =	vld.idx.msk [tilespmem:v52+s3+$0x0], $0xffff;
	v26 =	vnsel vm12, $0x0, v57  }
0x143: {  	v58 =	vmin.u32 v26, $0x3E;
	v17 =	vadd.f32 v17, v55  }
0x144: {  	v26 =	vshll.u32 v58, $0x4  }
0x145: {  	v59 =	vor.u32 v0, v26;
	v11 =	vmul.f32 v17, v54;
	_ =	sdelay $0x1  }
0x146: {  	v11 =	vadd.f32 v11, v23;
	_ =	sdelay $0x1  }
0x147: {  	v62 =	vld [tilespmem:s31+$0x1030];
	[tilespmem:s31+$0x9010] =	vst v11  }
0x148: {  	v11 =	vld.idx.msk [tilespmem:v59+s19+$0x0], $0xffff  }
0x149: {  	v25 =	vcvt.s32.f32 v58  }
0x14a: {  	v28 =	vld.idx.msk [tilespmem:v59+s18+$0x0], $0xffff  }
0x14b: {  	v24 =	vsub.f32 v24, v25  }
0x14c: {  	v23 =	vmul.f32 $6.300000000e+01, v62  }
0x14d: {  	v11 =	vmul.f32 v24, v11  }
0x14e: {  	v21 =	vnsel vm0, $0x0, v21;
	v19 =	vadd.f32 v22, v19;
	v32 =	vtrunc.f32 v23;
	v63 =	vld.idx.msk [tilespmem:v59+s17+$0x0], $0xffff  }
0x14f: {  	v21 =	vmin.u32 v21, $0x3E;
	v25 =	vcvt.f32.s32 v32;
	v11 =	vadd.f32 v11, v28  }
0x150: {  	v29 =	vshll.u32 v21, $0x4;
	v18 =	vmul.f32 v19, v18  }
0x151: {  	v33 =	vor.u32 v0, v29;
	vm13 =	vgt.s32 v25, $0x0;
	v11 =	vmul.f32 v11, v24  }
0x152: {  	v17 =	vld.idx.msk [tilespmem:v59+s3+$0x0], $0xffff;
	v34 =	vnsel vm13, $0x0, v25  }
0x153: {  	v18 =	vadd.f32 v18, v20;
	v20 =	vmin.u32 v34, $0x3E;
	v11 =	vadd.f32 v11, v63  }
0x154: {  	v35 =	vshll.u32 v20, $0x4  }
0x155: {  	[tilespmem:s30+$0x9020] =	vst v18;
	v18 =	vor.u32 v0, v35;
	v11 =	vmul.f32 v11, v24  }
0x156: {  	v36 =	vld.idx.msk [tilespmem:v33+s19+$0x0], $0xffff  }
0x157: {  	v61 =	vld [tilespmem:s31+$0x1040];
	v21 =	vcvt.s32.f32 v21;
	v11 =	vadd.f32 v11, v17  }
0x158: {  	v37 =	vld.idx.msk [tilespmem:v33+s18+$0x0], $0xffff  }
0x159: {  	v16 =	vsub.f32 v16, v21;
	[tilespmem:s31+$0x9020] =	vst v11  }
0x15a: {  	v40 =	vtrunc.f32 v8;
	v39 =	vld.idx.msk [tilespmem:v18+s19+$0x0], $0xffff  }
0x15b: {  	v41 =	vld.idx.msk [tilespmem:v33+s17+$0x0], $0xffff;
	v38 =	vmul.f32 v16, v36;
	v20 =	vcvt.s32.f32 v20  }
0x15c: {  	v21 =	vcvt.f32.s32 v40;
	v43 =	vmul.f32 $6.300000000e+01, v61;
	v42 =	vld.idx.msk [tilespmem:v18+s18+$0x0], $0xffff  }
0x15d: {  	v20 =	vsub.f32 v23, v20;
	v11 =	vadd.f32 v38, v37  }
0x15e: {  	vm14 =	vgt.s32 v21, $0x0;
	v44 =	vtrunc.f32 v43  }
0x15f: {  	v21 =	vnsel vm14, $0x0, v21;
	v19 =	vld.idx.msk [tilespmem:v33+s3+$0x0], $0xffff;
	v11 =	vmul.f32 v11, v16;
	v17 =	vmul.f32 v20, v39  }
0x160: {  	v21 =	vmin.u32 v21, $0x3E;
	v22 =	vcvt.f32.s32 v44;
	v45 =	vld.idx.msk [tilespmem:v18+s17+$0x0], $0xffff  }
0x161: {  	v46 =	vshll.u32 v21, $0x4;
	v11 =	vadd.f32 v11, v41;
	v17 =	vadd.f32 v17, v42  }
0x162: {  	v47 =	vor.u32 v0, v46  }
0x163: {  	vm15 =	vgt.s32 v22, $0x0;
	v11 =	vmul.f32 v11, v16;
	v17 =	vmul.f32 v17, v20  }
0x164: {  	v48 =	vnsel vm15, $0x0, v22;
	v18 =	vld.idx.msk [tilespmem:v18+s3+$0x0], $0xffff  }
0x165: {  	v11 =	vadd.f32 v11, v19;
	v19 =	vmin.u32 v48, $0x3E;
	v17 =	vadd.f32 v17, v45  }
0x166: {  	v49 =	vshll.u32 v19, $0x4  }
0x167: {  	[tilespmem:s30+$0x9030] =	vst v11;
	v11 =	vor.u32 v0, v49;
	v17 =	vmul.f32 v17, v20  }
0x168: {  	v50 =	vld.idx.msk [tilespmem:v47+s19+$0x0], $0xffff  }
0x169: {  	v60 =	vld [tilespmem:s31+$0x1050];
	v51 =	vcvt.s32.f32 v21;
	v17 =	vadd.f32 v17, v18  }
0x16a: {  	v52 =	vld.idx.msk [tilespmem:v47+s18+$0x0], $0xffff  }
0x16b: {  	v53 =	vsub.f32 v8, v51;
	[tilespmem:s31+$0x9030] =	vst v17  }
0x16c: {  	v55 =	vld.idx.msk [tilespmem:v11+s19+$0x0], $0xffff  }
0x16d: {  	v19 =	vcvt.s32.f32 v19;
	v57 =	vld.idx.msk [tilespmem:v47+s17+$0x0], $0xffff;
	v54 =	vmul.f32 v53, v50  }
0x16e: {  	v56 =	vtrunc.f32 v6;
	v59 =	vmul.f32 $6.300000000e+01, v60;
	v58 =	vld.idx.msk [tilespmem:v11+s18+$0x0], $0xffff  }
0x16f: {  	v19 =	vsub.f32 v43, v19;
	v20 =	vcvt.f32.s32 v56;
	v17 =	vadd.f32 v54, v52  }
0x170: {  	v60 =	vtrunc.f32 v59  }
0x171: {  	v16 =	vld.idx.msk [tilespmem:v47+s3+$0x0], $0xffff;
	vm4 =	vgt.s32 v20, $0x0;
	v17 =	vmul.f32 v17, v53;
	v18 =	vmul.f32 v19, v55  }
0x172: {  	v22 =	vcvt.f32.s32 v60;
	v20 =	vnsel vm4, $0x0, v20;
	v61 =	vld.idx.msk [tilespmem:v11+s17+$0x0], $0xffff  }
0x173: {  	v20 =	vmin.u32 v20, $0x3E;
	v17 =	vadd.f32 v17, v57;
	v18 =	vadd.f32 v18, v58  }
0x174: {  	vm5 =	vgt.s32 v22, $0x0;
	v63 =	vshll.u32 v20, $0x4  }
0x175: {  	v30 =	vor.u32 v0, v63;
	v8 =	vmul.f32 v17, v53;
	v18 =	vmul.f32 v18, v19  }
0x176: {  	v31 =	vmul.f32 v13, v15;
	v32 =	vnsel vm5, $0x0, v22;
	v11 =	vld.idx.msk [tilespmem:v11+s3+$0x0], $0xffff  }
0x177: {  	v33 =	vld [tilespmem:s30+$0x1060];
	v34 =	vmin.u32 v32, $0x3E;
	v16 =	vadd.f32 v8, v16;
	v18 =	vadd.f32 v18, v61  }
0x178: {  	v14 =	vadd.f32 v31, v14;
	v35 =	vshll.u32 v34, $0x4  }
0x179: {  	v62 =	vld.idx.msk [tilespmem:v12+s17+$0x0], $0xffff;
	[tilespmem:s30+$0x9040] =	vst v16;
	v16 =	vor.u32 v0, v35;
	v18 =	vmul.f32 v18, v19  }
0x17a: {  	v36 =	vld.idx.msk [tilespmem:v30+s19+$0x0], $0xffff  }
0x17b: {  	v29 =	vld.idx.msk [tilespmem:v12+s3+$0x0], $0xffff;
	v14 =	vmul.f32 v14, v13;
	v20 =	vcvt.s32.f32 v20;
	v18 =	vadd.f32 v18, v11  }
0x17c: {  	v22 =	vmul.f32 $6.300000000e+01, v33;
	v28 =	vtrunc.f32 v9;
	v38 =	vld.idx.msk [tilespmem:v30+s18+$0x0], $0xffff  }
0x17d: {  	v21 =	vcvt.f32.s32 v28;
	v41 =	vld [tilespmem:s31+$0x1060];
	v40 =	vsub.f32 v6, v20;
	[tilespmem:s31+$0x9040] =	vst v18  }
0x17e: {  	v25 =	vadd.f32 v14, v62;
	v46 =	vtrunc.f32 v22;
	v45 =	vld.idx.msk [tilespmem:v16+s19+$0x0], $0xffff  }
0x17f: {  	vm6 =	vgt.s32 v21, $0x0;
	v24 =	vcvt.s32.f32 v34;
	v47 =	vld.idx.msk [tilespmem:v30+s17+$0x0], $0xffff;
	v44 =	vmul.f32 v40, v36  }
0x180: {  	v37 =	vnsel vm6, $0x0, v21;
	v42 =	vmul.f32 v25, v13;
	v13 =	vcvt.f32.s32 v46;
	v48 =	vld.idx.msk [tilespmem:v16+s18+$0x0], $0xffff  }
0x181: {  	v49 =	vsub.f32 v59, v24;
	v19 =	vmin.u32 v37, $0x3E;
	v18 =	vadd.f32 v44, v38  }
0x182: {  	vm7 =	vgt.s32 v13, $0x0;
	v20 =	vmul.f32 $6.300000000e+01, v41;
	v39 =	vshll.u32 v19, $0x4  }
0x183: {  	v17 =	vld.idx.msk [tilespmem:v30+s3+$0x0], $0xffff;
	v43 =	vor.u32 v0, v39;
	v18 =	vmul.f32 v18, v40;
	v24 =	vmul.f32 v49, v45  }
0x184: {  	v12 =	vadd.f32 v42, v29;
	v13 =	vnsel vm7, $0x0, v13;
	v51 =	vtrunc.f32 v20;
	v52 =	vld.idx.msk [tilespmem:v16+s17+$0x0], $0xffff  }
0x185: {  	v26 =	vcvt.f32.s32 v51;
	v18 =	vadd.f32 v18, v47;
	v21 =	vadd.f32 v24, v48  }
0x186: {  	v13 =	vmin.u32 v13, $0x3E  }
0x187: {  	[tilespmem:s29+$0x9060] =	vst v12;
	vm8 =	vgt.s32 v26, $0x0;
	v16 =	vld.idx.msk [tilespmem:v16+s3+$0x0], $0xffff;
	v6 =	vmul.f32 v18, v40;
	v21 =	vmul.f32 v21, v49  }
0x188: {  	v54 =	vshll.u32 v13, $0x4;
	v58 =	vnsel vm8, $0x0, v26;
	v19 =	vcvt.s32.f32 v19;
	v50 =	vld.idx.msk [tilespmem:v43+s19+$0x0], $0xffff  }
0x189: {  	v6 =	vadd.f32 v6, v17;
	v17 =	vmin.u32 v58, $0x3E;
	v21 =	vadd.f32 v21, v52  }
0x18a: {  	v56 =	vor.u32 v0, v54;
	v53 =	vld.idx.msk [tilespmem:v43+s18+$0x0], $0xffff;
	v61 =	vshll.u32 v17, $0x4  }
0x18b: {  	v59 =	vld [tilespmem:s30+$0x1070];
	v55 =	vsub.f32 v9, v19;
	v63 =	vor.u32 v0, v61;
	v12 =	vmul.f32 v21, v49  }
0x18c: {  	v35 =	vld [tilespmem:s31+$0x1070]  }
0x18d: {  	v60 =	vtrunc.f32 v3;
	v57 =	vld.idx.msk [tilespmem:v43+s17+$0x0], $0xffff;
	v23 =	vmul.f32 v55, v50;
	v12 =	vadd.f32 v12, v16  }
0x18e: {  	v26 =	vcvt.f32.s32 v60;
	v32 =	vld.idx.msk [tilespmem:v43+s3+$0x0], $0xffff;
	[tilespmem:s30+$0x9050] =	vst v6  }
0x18f: {  	v23 =	vadd.f32 v23, v53;
	v62 =	vld.idx.msk [tilespmem:v56+s19+$0x0], $0xffff;
	[tilespmem:s31+$0x9050] =	vst v12  }
0x190: {  	v13 =	vcvt.s32.f32 v13;
	vm9 =	vgt.s32 v26, $0x0;
	v37 =	vmul.f32 $6.300000000e+01, v59;
	v40 =	vld.idx.msk [tilespmem:v63+s19+$0x0], $0xffff  }
0x191: {  	v36 =	vnsel vm9, $0x0, v26;
	v17 =	vcvt.s32.f32 v17;
	v33 =	vld.idx.msk [tilespmem:v56+s18+$0x0], $0xffff;
	v23 =	vmul.f32 v23, v55  }
0x192: {  	v13 =	vsub.f32 v22, v13;
	v38 =	vmin.u32 v36, $0x3E;
	v43 =	vtrunc.f32 v37;
	v44 =	vld.idx.msk [tilespmem:v63+s18+$0x0], $0xffff  }
0x193: {  	v27 =	vcvt.f32.s32 v43;
	v17 =	vsub.f32 v20, v17;
	v34 =	vadd.f32 v23, v57  }
0x194: {  	v41 =	vshll.u32 v38, $0x4;
	v47 =	vmul.f32 $6.300000000e+01, v35;
	v39 =	vmul.f32 v13, v62  }
0x195: {  	vm10 =	vgt.s32 v27, $0x0;
	v42 =	vld.idx.msk [tilespmem:v56+s17+$0x0], $0xffff;
	v9 =	vmul.f32 v34, v55;
	v22 =	vmul.f32 v17, v40  }
0x196: {  	v51 =	vtrunc.f32 v47;
	v48 =	vnsel vm10, $0x0, v27;
	v16 =	vadd.f32 v39, v33;
	v50 =	vld.idx.msk [tilespmem:v63+s17+$0x0], $0xffff  }
0x197: {  	v6 =	vadd.f32 v9, v32;
	v9 =	vcvt.f32.s32 v51;
	v22 =	vadd.f32 v22, v44  }
0x198: {  	v24 =	vor.u32 v0, v41;
	v19 =	vmin.u32 v48, $0x3E;
	v46 =	vmul.f32 v16, v13  }
0x199: {  	v18 =	vld.idx.msk [tilespmem:v56+s3+$0x0], $0xffff;
	v12 =	vcvt.s32.f32 v38;
	vm11 =	vgt.s32 v9, $0x0;
	v22 =	vmul.f32 v22, v17  }
0x19a: {  	v53 =	vshll.u32 v19, $0x4;
	v55 =	vld.idx.msk [tilespmem:v63+s3+$0x0], $0xffff;
	v56 =	vnsel vm11, $0x0, v9;
	v49 =	vadd.f32 v46, v42  }
0x19b: {  	v30 =	vsub.f32 v3, v12;
	v21 =	vmin.u32 v56, $0x3E;
	v3 =	vadd.f32 v22, v50  }
0x19c: {  	v15 =	vld [tilespmem:s30+$0x1400];
	v29 =	vor.u32 v0, v53;
	v58 =	vshll.u32 v21, $0x4;
	v13 =	vmul.f32 v49, v13  }
0x19d: {  	v14 =	vld [tilespmem:s31+$0x1400];
	v61 =	vor.u32 v0, v58;
	v17 =	vmul.f32 v3, v17  }
0x19e: {  	v45 =	vld [tilespmem:s29+$0x1410];
	[tilespmem:s29+$0x9070] =	vst v6;
	v13 =	vadd.f32 v13, v18  }
0x19f: {  	v52 =	vld.idx.msk [tilespmem:v24+s19+$0x0], $0xffff;
	v17 =	vadd.f32 v17, v55  }
0x1a0: {  	v54 =	vld.idx.msk [tilespmem:v24+s18+$0x0], $0xffff;
	[tilespmem:s30+$0x9060] =	vst v13  }
0x1a1: {  	v7 =	vcvt.s32.f32 v7;
	v60 =	vld.idx.msk [tilespmem:v29+s19+$0x0], $0xffff;
	[tilespmem:s31+$0x9060] =	vst v17  }
0x1a2: {  	v14 =	vmul.f32 $6.300000000e+01, v14;
	v62 =	vcvt.s32.f32 v19;
	v35 =	vld.idx.msk [tilespmem:v61+s19+$0x0], $0xffff  }
0x1a3: {  	v20 =	vmul.f32 $6.300000000e+01, v45;
	v21 =	vcvt.s32.f32 v21;
	v63 =	vld.idx.msk [tilespmem:v29+s18+$0x0], $0xffff  }
0x1a4: {  	v15 =	vmul.f32 $6.300000000e+01, v15;
	v41 =	vtrunc.f32 v14;
	v23 =	vsub.f32 v37, v62;
	v38 =	vld.idx.msk [tilespmem:v61+s18+$0x0], $0xffff  }
0x1a5: {  	v31 =	vtrunc.f32 v20;
	v16 =	vsub.f32 v47, v21;
	v59 =	vmul.f32 v30, v52  }
0x1a6: {  	v33 =	vcvt.f32.s32 v31;
	v57 =	vld.idx.msk [tilespmem:v24+s17+$0x0], $0xffff;
	v34 =	vmul.f32 v23, v60  }
0x1a7: {  	v37 =	vtrunc.f32 v15;
	v13 =	vadd.f32 v59, v54;
	v36 =	vld.idx.msk [tilespmem:v29+s17+$0x0], $0xffff;
	v25 =	vmul.f32 v16, v35  }
0x1a8: {  	v44 =	vcvt.f32.s32 v41;
	v22 =	vcvt.f32.s32 v37;
	v17 =	vadd.f32 v34, v63;
	v42 =	vld.idx.msk [tilespmem:v61+s17+$0x0], $0xffff  }
0x1a9: {  	v28 =	vld [tilespmem:s29+$0x1420];
	vm12 =	vgt.s32 v33, $0x0;
	v13 =	vmul.f32 v13, v30;
	v19 =	vadd.f32 v25, v38  }
0x1aa: {  	v11 =	vld [tilespmem:s29+$0x1430];
	vm14 =	vgt.s32 v44, $0x0;
	vm13 =	vgt.s32 v22, $0x0;
	v17 =	vmul.f32 v17, v23  }
0x1ab: {  	v29 =	vld.idx.msk [tilespmem:v29+s3+$0x0], $0xffff;
	v13 =	vadd.f32 v13, v57;
	v22 =	vnsel vm13, $0x0, v22;
	v19 =	vmul.f32 v19, v16  }
0x1ac: {  	v43 =	vmin.u32 v22, $0x3E;
	v22 =	vnsel vm14, $0x0, v44;
	v48 =	vld.idx.msk [tilespmem:v61+s3+$0x0], $0xffff;
	v17 =	vadd.f32 v17, v36  }
0x1ad: {  	v39 =	vld.idx.msk [tilespmem:v24+s3+$0x0], $0xffff;
	v46 =	vshll.u32 v43, $0x4;
	v22 =	vmin.u32 v22, $0x3E;
	v19 =	vadd.f32 v19, v42  }
0x1ae: {  	v26 =	vor.u32 v0, v46;
	v50 =	vshll.u32 v22, $0x4;
	v17 =	vmul.f32 v17, v23  }
0x1af: {  	[tilespmem:s28+$0x9410] =	vst v10;
	v49 =	vld [tilespmem:s30+$0x1410];
	v18 =	vnsel vm12, $0x0, v33;
	v52 =	vor.u32 v0, v50;
	v16 =	vmul.f32 v19, v16  }
0x1b0: {  	v45 =	vld.idx.msk [tilespmem:v5+s19+$0x0], $0xffff;
	v18 =	vmin.u32 v18, $0x3E;
	v13 =	vmul.f32 v13, v30;
	v17 =	vadd.f32 v17, v29  }
0x1b1: {  	v40 =	vshll.u32 v18, $0x4;
	v54 =	vld [tilespmem:s31+$0x1410];
	v59 =	vmul.f32 $6.300000000e+01, v28;
	v16 =	vadd.f32 v16, v48  }
0x1b2: {  	v11 =	vmul.f32 $6.300000000e+01, v11;
	v47 =	vld.idx.msk [tilespmem:v5+s18+$0x0], $0xffff;
	v24 =	vor.u32 v0, v40;
	v13 =	vadd.f32 v13, v39;
	[tilespmem:s30+$0x9070] =	vst v17  }
0x1b3: {  	v4 =	vsub.f32 v4, v7;
	v56 =	vcvt.s32.f32 v18;
	v32 =	vtrunc.f32 v59;
	v53 =	vld.idx.msk [tilespmem:v26+s19+$0x0], $0xffff;
	[tilespmem:s31+$0x9070] =	vst v16  }
0x1b4: {  	v10 =	vcvt.s32.f32 v43;
	[tilespmem:s29+$0x9400] =	vst v13;
	v13 =	vmul.f32 $6.300000000e+01, v49;
	v57 =	vld.idx.msk [tilespmem:v52+s19+$0x0], $0xffff  }
0x1b5: {  	v22 =	vcvt.s32.f32 v22;
	v25 =	vmul.f32 v4, v45;
	v55 =	vld.idx.msk [tilespmem:v26+s18+$0x0], $0xffff  }
0x1b6: {  	v21 =	vmul.f32 $6.300000000e+01, v54;
	v10 =	vsub.f32 v15, v10;
	v63 =	vtrunc.f32 v13;
	v61 =	vld.idx.msk [tilespmem:v52+s18+$0x0], $0xffff  }
0x1b7: {  	v14 =	vsub.f32 v14, v22;
	v51 =	vld.idx.msk [tilespmem:v24+s19+$0x0], $0xffff;
	v23 =	vadd.f32 v25, v47;
	v25 =	vcvt.f32.s32 v63  }
0x1b8: {  	v60 =	vtrunc.f32 v2;
	v58 =	vld.idx.msk [tilespmem:v24+s18+$0x0], $0xffff;
	v19 =	vmul.f32 v10, v53  }
0x1b9: {  	v34 =	vtrunc.f32 v21;
	v62 =	vld.idx.msk [tilespmem:v26+s17+$0x0], $0xffff;
	vm15 =	vgt.s32 v25, $0x0;
	v15 =	vmul.f32 v14, v57  }
0x1ba: {  	v35 =	vcvt.f32.s32 v32;
	v25 =	vnsel vm15, $0x0, v25;
	v19 =	vadd.f32 v19, v55;
	v33 =	vld.idx.msk [tilespmem:v52+s17+$0x0], $0xffff  }
0x1bb: {  	v16 =	vsub.f32 v20, v56;
	v20 =	vcvt.f32.s32 v34;
	v15 =	vadd.f32 v15, v61  }
0x1bc: {  	v39 =	vld.idx.msk [tilespmem:v5+s17+$0x0], $0xffff;
	v23 =	vmul.f32 v23, v4;
	v25 =	vmin.u32 v25, $0x3E;
	v19 =	vmul.f32 v19, v10  }
0x1bd: {  	v26 =	vld.idx.msk [tilespmem:v26+s3+$0x0], $0xffff;
	v30 =	vmul.f32 v16, v51;
	vm5 =	vgt.s32 v20, $0x0;
	v15 =	vmul.f32 v15, v14  }
0x1be: {  	v37 =	vshll.u32 v25, $0x4;
	v17 =	vld.idx.msk [tilespmem:v52+s3+$0x0], $0xffff;
	v20 =	vnsel vm5, $0x0, v20;
	v19 =	vadd.f32 v19, v62  }
0x1bf: {  	v7 =	vadd.f32 v30, v58;
	v38 =	vmin.u32 v20, $0x3E;
	v15 =	vadd.f32 v15, v33  }
0x1c0: {  	v27 =	vld [tilespmem:s30+$0x1420];
	v30 =	vor.u32 v0, v37;
	v40 =	vshll.u32 v38, $0x4;
	v10 =	vmul.f32 v19, v10  }
0x1c1: {  	v28 =	vcvt.f32.s32 v60;
	v43 =	vld.idx.msk [tilespmem:v5+s3+$0x0], $0xffff;
	v14 =	vmul.f32 v15, v14;
	v15 =	vor.u32 v0, v40  }
0x1c2: {  	v36 =	vld.idx.msk [tilespmem:v24+s17+$0x0], $0xffff;
	vm4 =	vgt.s32 v35, $0x0;
	v46 =	vadd.f32 v23, v39;
	v10 =	vadd.f32 v10, v26  }
0x1c3: {  	vm6 =	vgt.s32 v28, $0x0;
	v24 =	vld.idx.msk [tilespmem:v24+s3+$0x0], $0xffff;
	v31 =	vnsel vm4, $0x0, v35;
	v14 =	vadd.f32 v14, v17  }
0x1c4: {  	v29 =	vld [tilespmem:s31+$0x1420];
	v41 =	vmin.u32 v31, $0x3E;
	v31 =	vtrunc.f32 v11;
	v4 =	vmul.f32 v46, v4;
	[tilespmem:s30+$0x9400] =	vst v10  }
0x1c5: {  	v45 =	vnsel vm6, $0x0, v28;
	v22 =	vcvt.s32.f32 v41;
	v48 =	vcvt.s32.f32 v25;
	v47 =	vld.idx.msk [tilespmem:v30+s19+$0x0], $0xffff;
	[tilespmem:s31+$0x9400] =	vst v14  }
0x1c6: {  	v55 =	vmul.f32 $6.300000000e+01, v27;
	v4 =	vadd.f32 v4, v43;
	v7 =	vmul.f32 v7, v16;
	v49 =	vld.idx.msk [tilespmem:v15+s19+$0x0], $0xffff  }
0x1c7: {  	v42 =	vshll.u32 v41, $0x4;
	v52 =	vsub.f32 v13, v48;
	v19 =	vcvt.s32.f32 v38;
	v51 =	vld.idx.msk [tilespmem:v30+s18+$0x0], $0xffff  }
0x1c8: {  	[tilespmem:s28+$0x9420] =	vst v4;
	v4 =	vcvt.f32.s32 v31;
	v58 =	vtrunc.f32 v55;
	v7 =	vadd.f32 v7, v36;
	v53 =	vld.idx.msk [tilespmem:v15+s18+$0x0], $0xffff  }
0x1c9: {  	v8 =	vld [tilespmem:s29+$0x1438];
	v57 =	vmul.f32 $6.300000000e+01, v29;
	v19 =	vsub.f32 v21, v19;
	v21 =	vcvt.f32.s32 v58  }
0x1ca: {  	v6 =	vld [tilespmem:s30+$0x1438];
	v44 =	vor.u32 v0, v42;
	v7 =	vmul.f32 v7, v16;
	v56 =	vmul.f32 v52, v47  }
0x1cb: {  	v18 =	vsub.f32 v59, v22;
	v60 =	vtrunc.f32 v57;
	v59 =	vld.idx.msk [tilespmem:v30+s17+$0x0], $0xffff;
	v23 =	vmul.f32 v19, v49  }
0x1cc: {  	v10 =	vmin.u32 v45, $0x3E;
	v7 =	vadd.f32 v7, v24;
	v5 =	vadd.f32 v56, v51;
	v61 =	vld.idx.msk [tilespmem:v15+s17+$0x0], $0xffff  }
0x1cd: {  	v12 =	vld [tilespmem:s31+$0x1430];
	vm7 =	vgt.s32 v21, $0x0;
	v17 =	vcvt.f32.s32 v60;
	v13 =	vadd.f32 v23, v53  }
0x1ce: {  	v50 =	vshll.u32 v10, $0x4;
	v63 =	vld.idx.msk [tilespmem:v30+s3+$0x0], $0xffff;
	v21 =	vnsel vm7, $0x0, v21;
	[tilespmem:s29+$0x9410] =	vst v7;
	v5 =	vmul.f32 v5, v52  }
0x1cf: {  	v24 =	vor.u32 v0, v50;
	v54 =	vld.idx.msk [tilespmem:v44+s19+$0x0], $0xffff;
	vm8 =	vgt.s32 v17, $0x0;
	v13 =	vmul.f32 v13, v19  }
0x1d0: {  	v21 =	vmin.u32 v21, $0x3E;
	v15 =	vld.idx.msk [tilespmem:v15+s3+$0x0], $0xffff;
	v17 =	vnsel vm8, $0x0, v17;
	v5 =	vadd.f32 v5, v59  }
0x1d1: {  	v28 =	vshll.u32 v21, $0x4;
	v62 =	vld.idx.msk [tilespmem:v44+s18+$0x0], $0xffff;
	v17 =	vmin.u32 v17, $0x3E;
	v13 =	vadd.f32 v13, v61  }
0x1d2: {  	v9 =	vld [tilespmem:s30+$0x1430];
	v29 =	vor.u32 v0, v28;
	v30 =	vshll.u32 v17, $0x4;
	v5 =	vmul.f32 v5, v52  }
0x1d3: {  	v8 =	vmul.f32 $6.300000000e+01, v8;
	v33 =	vor.u32 v0, v30;
	v13 =	vmul.f32 v13, v19  }
0x1d4: {  	vm9 =	vgt.s32 v4, $0x0;
	v32 =	vld.idx.msk [tilespmem:v44+s17+$0x0], $0xffff;
	v14 =	vmul.f32 v18, v54;
	v5 =	vadd.f32 v5, v63  }
0x1d5: {  	v12 =	vmul.f32 $6.300000000e+01, v12;
	v4 =	vnsel vm9, $0x0, v4;
	v16 =	vld.idx.msk [tilespmem:v44+s3+$0x0], $0xffff;
	v13 =	vadd.f32 v13, v15  }
0x1d6: {  	v6 =	vmul.f32 $6.300000000e+01, v6;
	v4 =	vmin.u32 v4, $0x3E;
	v34 =	vld.idx.msk [tilespmem:v24+s19+$0x0], $0xffff;
	v14 =	vadd.f32 v14, v62;
	[tilespmem:s30+$0x9410] =	vst v5  }
0x1d7: {  	v9 =	vmul.f32 $6.300000000e+01, v9;
	v43 =	vshll.u32 v4, $0x4;
	v4 =	vcvt.s32.f32 v4;
	v38 =	vld.idx.msk [tilespmem:v29+s19+$0x0], $0xffff;
	[tilespmem:s31+$0x9410] =	vst v13  }
0x1d8: {  	v40 =	vcvt.s32.f32 v21;
	v14 =	vmul.f32 v14, v18;
	v41 =	vld.idx.msk [tilespmem:v33+s19+$0x0], $0xffff  }
0x1d9: {  	v36 =	vtrunc.f32 v1;
	v17 =	vcvt.s32.f32 v17;
	v44 =	vld.idx.msk [tilespmem:v29+s18+$0x0], $0xffff  }
0x1da: {  	v10 =	vcvt.s32.f32 v10;
	v39 =	vadd.f32 v14, v32;
	v14 =	vsub.f32 v55, v40;
	v46 =	vld.idx.msk [tilespmem:v33+s18+$0x0], $0xffff  }
0x1db: {  	v4 =	vsub.f32 v11, v4;
	v50 =	vtrunc.f32 v12;
	v35 =	vld.idx.msk [tilespmem:v24+s18+$0x0], $0xffff;
	v17 =	vsub.f32 v57, v17  }
0x1dc: {  	v2 =	vsub.f32 v2, v10;
	v47 =	vtrunc.f32 v9;
	v10 =	vmul.f32 v14, v38  }
0x1dd: {  	v45 =	vor.u32 v0, v43;
	v48 =	vld.idx.msk [tilespmem:v29+s17+$0x0], $0xffff;
	v13 =	vmul.f32 v39, v18;
	v15 =	vmul.f32 v17, v41  }
0x1de: {  	v42 =	vmul.f32 v2, v34;
	v49 =	vcvt.f32.s32 v47;
	v10 =	vadd.f32 v10, v44;
	v51 =	vld.idx.msk [tilespmem:v33+s17+$0x0], $0xffff  }
0x1df: {  	v13 =	vadd.f32 v13, v16;
	v16 =	vcvt.f32.s32 v50;
	v15 =	vadd.f32 v15, v46  }
0x1e0: {  	v3 =	vld [tilespmem:s31+$0x1438];
	v21 =	vadd.f32 v42, v35;
	vm11 =	vgt.s32 v49, $0x0;
	v10 =	vmul.f32 v10, v14  }
0x1e1: {  	v54 =	vnsel vm11, $0x0, v49;
	v7 =	vld.idx.msk [tilespmem:v29+s3+$0x0], $0xffff;
	vm12 =	vgt.s32 v16, $0x0;
	v55 =	vmul.f32 v15, v17  }
0x1e2: {  	v11 =	vmin.u32 v54, $0x3E;
	v56 =	vld.idx.msk [tilespmem:v33+s3+$0x0], $0xffff;
	v10 =	vadd.f32 v10, v48;
	v16 =	vnsel vm12, $0x0, v16  }
0x1e3: {  	v57 =	vld.idx.msk [tilespmem:v24+s17+$0x0], $0xffff;
	v58 =	vshll.u32 v11, $0x4;
	[tilespmem:s29+$0x9420] =	vst v13;
	v16 =	vmin.u32 v16, $0x3E;
	v13 =	vadd.f32 v55, v51  }
0x1e4: {  	v59 =	vor.u32 v0, v58;
	v10 =	vmul.f32 v10, v14;
	v60 =	vshll.u32 v16, $0x4  }
0x1e5: {  	v37 =	vcvt.f32.s32 v36;
	v52 =	vld.idx.msk [tilespmem:v45+s19+$0x0], $0xffff;
	v61 =	vor.u32 v0, v60;
	v13 =	vmul.f32 v13, v17  }
0x1e6: {  	v3 =	vmul.f32 $6.300000000e+01, v3;
	v24 =	vld.idx.msk [tilespmem:v24+s3+$0x0], $0xffff;
	v62 =	vmul.f32 v21, v2;
	v7 =	vadd.f32 v10, v7  }
0x1e7: {  	v26 =	vtrunc.f32 v8;
	vm10 =	vgt.s32 v37, $0x0;
	v53 =	vld.idx.msk [tilespmem:v45+s18+$0x0], $0xffff;
	v13 =	vadd.f32 v13, v56  }
0x1e8: {  	v36 =	vtrunc.f32 v6;
	v5 =	vnsel vm10, $0x0, v37;
	v25 =	vadd.f32 v62, v57;
	v63 =	vld.idx.msk [tilespmem:v45+s17+$0x0], $0xffff;
	[tilespmem:s30+$0x9420] =	vst v7  }
0x1e9: {  	v5 =	vmin.u32 v5, $0x3E;
	v11 =	vcvt.s32.f32 v11;
	v19 =	vcvt.f32.s32 v26;
	v29 =	vld.idx.msk [tilespmem:v59+s19+$0x0], $0xffff;
	[tilespmem:s31+$0x9420] =	vst v13  }
0x1ea: {  	v27 =	vshll.u32 v5, $0x4;
	v2 =	vmul.f32 v25, v2;
	v23 =	vmul.f32 v4, v52;
	v13 =	vld.idx.msk [tilespmem:v61+s19+$0x0], $0xffff  }
0x1eb: {  	v9 =	vsub.f32 v9, v11;
	vm13 =	vgt.s32 v19, $0x0;
	v16 =	vcvt.s32.f32 v16;
	v31 =	vld.idx.msk [tilespmem:v59+s18+$0x0], $0xffff  }
0x1ec: {  	v38 =	vtrunc.f32 v3;
	v32 =	vnsel vm13, $0x0, v19;
	v22 =	vadd.f32 v23, v53;
	v33 =	vld.idx.msk [tilespmem:v61+s18+$0x0], $0xffff  }
0x1ed: {  	v19 =	vcvt.f32.s32 v36;
	v20 =	vcvt.f32.s32 v38;
	v12 =	vsub.f32 v12, v16  }
0x1ee: {  	v2 =	vadd.f32 v2, v24;
	v18 =	vld.idx.msk [tilespmem:v45+s3+$0x0], $0xffff;
	v28 =	vmul.f32 v22, v4;
	v34 =	vmul.f32 v9, v29  }
0x1ef: {  	vm14 =	vgt.s32 v19, $0x0;
	vm15 =	vgt.s32 v20, $0x0;
	v37 =	vld.idx.msk [tilespmem:v59+s17+$0x0], $0xffff;
	v13 =	vmul.f32 v12, v13  }
0x1f0: {  	v10 =	vmin.u32 v32, $0x3E;
	v30 =	vadd.f32 v28, v63;
	v15 =	vadd.f32 v34, v31;
	v39 =	vld.idx.msk [tilespmem:v61+s17+$0x0], $0xffff  }
0x1f1: {  	v42 =	vnsel vm15, $0x0, v20;
	v35 =	vshll.u32 v10, $0x4;
	v11 =	vadd.f32 v13, v33  }
0x1f2: {  	v7 =	vor.u32 v0, v27;
	v4 =	vmul.f32 v30, v4;
	v40 =	vmul.f32 v15, v9  }
0x1f3: {  	v41 =	vnsel vm14, $0x0, v19;
	v16 =	vor.u32 v0, v35;
	v14 =	vld.idx.msk [tilespmem:v59+s3+$0x0], $0xffff;
	v11 =	vmul.f32 v11, v12  }
0x1f4: {  	v17 =	vld.idx.msk [tilespmem:v61+s3+$0x0], $0xffff;
	v4 =	vadd.f32 v4, v18;
	v15 =	vmin.u32 v41, $0x3E;
	v13 =	vadd.f32 v40, v37  }
0x1f5: {  	v18 =	vmin.u32 v42, $0x3E;
	v43 =	vshll.u32 v15, $0x4;
	v11 =	vadd.f32 v11, v39  }
0x1f6: {  	[tilespmem:s28+$0x9430] =	vst v2;
	v45 =	vshll.u32 v18, $0x4;
	v44 =	vor.u32 v0, v43;
	v2 =	vmul.f32 v13, v9  }
0x1f7: {  	v46 =	vld.idx.msk [tilespmem:v7+s19+$0x0], $0xffff;
	v47 =	vor.u32 v0, v45;
	v11 =	vmul.f32 v11, v12  }
0x1f8: {  	v48 =	vld.idx.msk [tilespmem:v7+s18+$0x0], $0xffff;
	[tilespmem:s29+$0x9430] =	vst v4;
	v2 =	vadd.f32 v2, v14  }
0x1f9: {  	v4 =	vld.idx.msk [tilespmem:v16+s19+$0x0], $0xffff;
	v11 =	vadd.f32 v11, v17  }
0x1fa: {  	v5 =	vcvt.s32.f32 v5;
	v49 =	vld.idx.msk [tilespmem:v16+s18+$0x0], $0xffff;
	[tilespmem:s30+$0x9430] =	vst v2  }
0x1fb: {  	v2 =	vcvt.s32.f32 v10;
	v50 =	vld.idx.msk [tilespmem:v44+s19+$0x0], $0xffff;
	[tilespmem:s31+$0x9430] =	vst v11  }
0x1fc: {  	v1 =	vsub.f32 v1, v5;
	v51 =	vcvt.s32.f32 v15;
	v11 =	vld.idx.msk [tilespmem:v47+s19+$0x0], $0xffff  }
0x1fd: {  	v53 =	vcvt.s32.f32 v18;
	v52 =	vld.idx.msk [tilespmem:v44+s18+$0x0], $0xffff;
	v2 =	vsub.f32 v8, v2  }
0x1fe: {  	v54 =	vmul.f32 v1, v46;
	v5 =	vsub.f32 v6, v51;
	v55 =	vld.idx.msk [tilespmem:v47+s18+$0x0], $0xffff  }
0x1ff: {  	v56 =	vld.idx.msk [tilespmem:v7+s17+$0x0], $0xffff;
	v3 =	vsub.f32 v3, v53;
	v4 =	vmul.f32 v2, v4  }
0x200: {  	v57 =	vld.idx.msk [tilespmem:v16+s17+$0x0], $0xffff;
	v13 =	vadd.f32 v54, v48;
	v10 =	vmul.f32 v5, v50  }
0x201: {  	v58 =	vld.idx.msk [tilespmem:v44+s17+$0x0], $0xffff;
	v4 =	vadd.f32 v4, v49;
	v11 =	vmul.f32 v3, v11  }
0x202: {  	v13 =	vmul.f32 v13, v1;
	v59 =	vld.idx.msk [tilespmem:v47+s17+$0x0], $0xffff;
	v8 =	vadd.f32 v10, v52  }
0x203: {  	v7 =	vld.idx.msk [tilespmem:v7+s3+$0x0], $0xffff;
	v4 =	vmul.f32 v4, v2;
	v6 =	vadd.f32 v11, v55  }
0x204: {  	v61 =	vld.idx.msk [tilespmem:v16+s3+$0x0], $0xffff;
	v60 =	vadd.f32 v13, v56;
	v8 =	vmul.f32 v8, v5  }
0x205: {  	v9 =	vld.idx.msk [tilespmem:v44+s3+$0x0], $0xffff;
	v4 =	vadd.f32 v4, v57;
	v6 =	vmul.f32 v6, v3  }
0x206: {  	v1 =	vmul.f32 v60, v1;
	v62 =	vld.idx.msk [tilespmem:v47+s3+$0x0], $0xffff;
	v8 =	vadd.f32 v8, v58  }
0x207: {  	v2 =	vmul.f32 v4, v2;
	v63 =	vadd.f32 v6, v59  }
0x208: {  	v1 =	vadd.f32 v1, v7;
	v5 =	vmul.f32 v8, v5  }
0x209: {  	v2 =	vadd.f32 v2, v61;
	v3 =	vmul.f32 v63, v3  }
0x20a: {  	[tilespmem:s28+$0x9438] =	vst v1;
	v1 =	vadd.f32 v5, v9  }
0x20b: {  	[tilespmem:s29+$0x9438] =	vst v2;
	v2 =	vadd.f32 v3, v62  }
0x20c: {  	s1 =	sshll.u32 s23, $0xB;
	s2 =	sadd.s32 $0x9000, s26;
	[tilespmem:s30+$0x9438] =	vst v1  }
0x20d: {  	s12 =	sadd.s32 $0x3, s25;
	p0 =	sgt.u32 s23, $0x5;
	s13 =	sadd.s32 s1, s9;
	[tilespmem:s31+$0x9438] =	vst v2  }
0x20e: {  	[hbm4b:s13+s3] =	stream.linear.scatter [tilespmem:s2], [sflag:s12], $0x4000, $0x38;
	[tilespmem:$0x11000] =	vst v63  }
0x20f: {  	s23 =	sadd.s32 $0x1, s23;
	s1 =	sadd.s32 @!p0 s1, s10;
	s2 =	simm.s32 @!p0 $0x0  }
0x210: {  	[tilespmem:s0], [sflag:s24] =	stream.linear.gather @!p0 [hbm4b:s1+s2], $0x4000, $0x38;
	[tilespmem:$0x11000] =	vst v63  }
0x211: {  	p0 =	sne.s32 s23, $0x8  }
.Ltmp1:
0x212: {  	_ = 	snop;
	(pc) =	sbr.rel @p0 .LBB2_2-.Ltmp1, $1  }
0x213: {  	_ =	sdelay $0x3  }
0x214: {  	s22 =	sadd.s32 $0x1, s22  }
0x215: {  	_ =	swait.ge [sflag:s20], $0x4000;
	p0 =	sne.s32 s22, s11  }
.Ltmp2:
0x216: {  	[sflag:s20] =	ssyncset.done $0x0;
	(pc) =	sbr.rel @p0 .LBB2_1-.Ltmp2, $4  }
0x217: {  	[sflag:s20] =	ssyncadd.s32 $0xFFFFC000  }
0x218: {  	_ =	swait.ge [sflag:s21], $0x4000  }
0x219: {  	[sflag:s21] =	ssyncset.done $0x0  }
0x21a: {  	[sflag:s21] =	ssyncadd.s32 $0xFFFFC000  }
0x21b: {  	_ =	sfence.sel $0x180000  }
0x21c: {  	[bflag:$0x0] =	sbarrier.arrive $0xFFFF  }
0x21d: {  	_ =	strace $0x90000047  }
0x21e: {  	s0 =	stileid.u32;
	[bflag:$0x2] =	sbarrier.arrive $0xFFFF  }
0x21f: {  	p0 =	sne.s32 s0, $0x0;
	s0 =	rddreg [dreg:$0x2]  }
0x220: {  	s0 =	sadd.s32 @!p0 $0x100000, s0  }
0x221: {  	[sflag:s0] =	ssyncadd.tile.s32 @!p0 $0x1;
	_ =	shalt  }
.Lfunc_end2:
_tile_overlayer_lowered:
.L_overlay_start_2:
0x222: {  	(tag) =	ssettag $0x2  }
0x223: {  	s0 =	rddreg [dreg:$0x0];
	s2 =	stileid.u32  }
0x224: {  	s1 =	rddreg [dreg:$0x1];
	p0 =	sne.s32 s2, $0x0  }
0x225: {  	s3 =	rddreg [dreg:$0x2];
	[bflag:$0x3] =	sbarrier.arrive $0xFFFF;
	s2 =	simm.s32 @!p0 $0x1C05  }
0x226: {  	[timem:s3], [sflag:s2] =	dma.local @!p0 [hbm:s0], s1  }
0x227: {  	s0 =	simm.s32 @!p0 $0x5  }
0x228: {  	_ =	swait.ge @!p0 [sflag:s0], s1  }
0x229: {  	s1 =	ssub.s32 @!p0 $0x0, s1;
	[sflag:s0] =	ssyncset.done @!p0 $0x0  }
0x22a: {  	[sflag:s0] =	ssyncadd.s32 @!p0 s1  }
0x22b: {  	[bflag:$0x3] =	sbarrier.arrive $0xFFFF  }
0x22c: {  	_ =	shalt  }

</sc_bundles>
